<compile_context>
chip_gen: v7x
topology: tpu7x:2x2x1
jax: 0.10.2.dev20260603
libtpu: 0.0.44.dev20260713+nightly
codegen_flags: <defaults>
</compile_context>

<pallas_src>
import functools

import jax
import jax.numpy as jnp
from jax import lax
from jax.experimental import pallas as pl
from jax.experimental.pallas import tpu as pltpu
from jax.experimental.pallas import tpu_sc as plsc

N_NODES = 10000
D = 128
HD = D // 2
NC, NS = 2, 16
EW = 20480
C = 128
NCH = EW // C
NCH2 = NCH // 2
ACC = 10240
RPT = ACC // NS
CW = 16
BLK = 2000

_MESH = plsc.VectorSubcoreMesh(core_axis_name="c", subcore_axis_name="s")
_SC_PARAMS = pltpu.CompilerParams(use_tc_tiling_on_sc=False,
                                  needs_layout_passes=False)

_PERM = [64 * h + 32 * g + (2 * p if p < 16 else 2 * (p - 16) + 1)
         for h in range(2) for g in range(2) for p in range(32)]


def _sc_aggregate(xh_hbm, eidx_hbm, sums_hbm, cnts_hbm,
                  src_v, dst_v, dum_v, bf0_v, bf1_v, f0_v, f1_v,
                  ones_v, z16_v,
                  gsem0, gsem1, ssem0, ssem1, csem, acc_sh, cnt_sh):
    cid = lax.axis_index("c")
    sid = lax.axis_index("s")

    pltpu.sync_copy(eidx_hbm.at[sid], src_v)
    pltpu.sync_copy(eidx_hbm.at[NS + sid], dst_v)
    srow = cid * N_NODES

    def _ofs(i, _):
        r = i // (C // 16)
        c = (i % (C // 16)) * 16
        src_v[r, pl.ds(c, 16)] = src_v[r, pl.ds(c, 16)] + srow
        return 0
    lax.fori_loop(0, NCH * (C // 16), _ofs, 0)

    def _dum(i, _):
        dum_v[pl.ds(i * 16, 16)] = jnp.full((16,), N_NODES, jnp.int32)
        return 0
    lax.fori_loop(0, C // 16, _dum, 0)

    def _zrow(i, _):
        r = i // (HD // 16)
        c = (i % (HD // 16)) * 16
        f0_v[r, pl.ds(c, 16)] = jnp.zeros((16,), jnp.float32)
        f1_v[r, pl.ds(c, 16)] = jnp.zeros((16,), jnp.float32)
        return 0
    lax.fori_loop(0, C * (HD // 16), _zrow, 0)

    def _orow(i, _):
        ones_v[i, :] = jnp.ones((CW,), jnp.float32)
        return 0
    lax.fori_loop(0, C, _orow, 0)

    def _z16(i, _):
        z16_v[i, :] = jnp.zeros((CW,), jnp.float32)
        return 0
    lax.fori_loop(0, RPT, _z16, 0)

    base = sid * RPT
    for i in range(RPT // C):
        pltpu.sync_copy(f0_v, acc_sh.at[pl.ds(base + i * C, C)])
    pltpu.sync_copy(z16_v, cnt_sh.at[pl.ds(base, RPT)])
    plsc.subcore_barrier()

    def _convert(bf_v, f_v):
        def _row(i, _):
            r = i * 2
            for rr in (r, r + 1):
                for g in (0, 1):
                    a, b = plsc.unpack(bf_v[rr, pl.ds(32 * g, 32)],
                                       format=plsc.PackFormat.INTERLEAVED)
                    f_v[rr, pl.ds(32 * g, 16)] = a
                    f_v[rr, pl.ds(32 * g + 16, 16)] = b
            return 0
        lax.fori_loop(0, C // 2, _row, 0)

    cbase = cid * NCH2
    pltpu.async_copy(xh_hbm.at[src_v.at[0]], bf0_v, gsem0)
    pltpu.async_copy(xh_hbm.at[src_v.at[1]], bf1_v, gsem1)
    pltpu.async_copy(f0_v, acc_sh.at[dum_v], ssem0, add=True)
    pltpu.async_copy(f1_v, acc_sh.at[dum_v], ssem1, add=True)
    pltpu.async_copy(z16_v.at[pl.ds(0, C)], cnt_sh.at[dum_v], csem, add=True)

    def _pair(jj, _):
        c0 = jj * 2
        pltpu.make_async_copy(xh_hbm.at[src_v.at[c0]], bf0_v, gsem0).wait()
        pltpu.make_async_copy(f0_v, acc_sh.at[dum_v], ssem0).wait()
        _convert(bf0_v, f0_v)
        c2 = jnp.minimum(c0 + 2, NCH - 1)
        pltpu.async_copy(xh_hbm.at[src_v.at[c2]], bf0_v, gsem0)
        pltpu.async_copy(f0_v, acc_sh.at[dst_v.at[c0]], ssem0, add=True)
        pltpu.make_async_copy(z16_v.at[pl.ds(0, C)], cnt_sh.at[dum_v],
                              csem).wait()
        pltpu.async_copy(ones_v, cnt_sh.at[dst_v.at[cbase + jj]], csem,
                         add=True)
        pltpu.make_async_copy(xh_hbm.at[src_v.at[c0 + 1]], bf1_v, gsem1).wait()
        pltpu.make_async_copy(f1_v, acc_sh.at[dum_v], ssem1).wait()
        _convert(bf1_v, f1_v)
        c3 = jnp.minimum(c0 + 3, NCH - 1)
        pltpu.async_copy(xh_hbm.at[src_v.at[c3]], bf1_v, gsem1)
        pltpu.async_copy(f1_v, acc_sh.at[dst_v.at[c0 + 1]], ssem1, add=True)
        return 0
    lax.fori_loop(0, NCH // 2, _pair, 0)

    pltpu.make_async_copy(xh_hbm.at[src_v.at[0]], bf0_v, gsem0).wait()
    pltpu.make_async_copy(xh_hbm.at[src_v.at[0]], bf1_v, gsem1).wait()
    pltpu.make_async_copy(f0_v, acc_sh.at[dum_v], ssem0).wait()
    pltpu.make_async_copy(f1_v, acc_sh.at[dum_v], ssem1).wait()
    pltpu.make_async_copy(z16_v.at[pl.ds(0, C)], cnt_sh.at[dum_v], csem).wait()

    plsc.subcore_barrier()

    pltpu.sync_copy(acc_sh.at[pl.ds(base, RPT)],
                    sums_hbm.at[pl.ds(cid * ACC + base, RPT)])
    pltpu.sync_copy(cnt_sh.at[pl.ds(base, RPT)],
                    cnts_hbm.at[pl.ds(cid * ACC + base, RPT)])


_sc_call = functools.partial(
    pl.kernel,
    mesh=_MESH,
    compiler_params=_SC_PARAMS,
    out_type=[
        jax.ShapeDtypeStruct((NC * ACC, HD), jnp.float32),
        jax.ShapeDtypeStruct((NC * ACC, CW), jnp.float32),
    ],
    scratch_types=[
        pltpu.VMEM((NCH, C), jnp.int32),
        pltpu.VMEM((NCH, C), jnp.int32),
        pltpu.VMEM((C,), jnp.int32),
        pltpu.VMEM((C, HD), jnp.bfloat16),
        pltpu.VMEM((C, HD), jnp.bfloat16),
        pltpu.VMEM((C, HD), jnp.float32),
        pltpu.VMEM((C, HD), jnp.float32),
        pltpu.VMEM((C, CW), jnp.float32),
        pltpu.VMEM((RPT, CW), jnp.float32),
        pltpu.SemaphoreType.DMA,
        pltpu.SemaphoreType.DMA,
        pltpu.SemaphoreType.DMA,
        pltpu.SemaphoreType.DMA,
        pltpu.SemaphoreType.DMA,
        pltpu.VMEM_SHARED((ACC, HD), jnp.float32),
        pltpu.VMEM_SHARED((ACC, CW), jnp.float32),
    ],
)(_sc_aggregate)


def _tc_combine(x_ref, p0_ref, p1_ref, c0_ref, c1_ref, ws_ref, wn_ref, o_ref):
    s = jnp.concatenate([p0_ref[0], p1_ref[0]], axis=1)
    cnt = c0_ref[0, :, 0] + c1_ref[0, :, 0]
    mean = s / jnp.maximum(cnt, 1.0)[:, None]
    a = jnp.dot(x_ref[...], ws_ref[...], preferred_element_type=jnp.float32)
    b = jnp.dot(mean, wn_ref[...], preferred_element_type=jnp.float32)
    o_ref[...] = jnp.maximum(jnp.concatenate([a, b], axis=1), 0.0)


def kernel(x, edge_index, W_self, W_neigh):
    ei = edge_index.astype(jnp.int32)
    e = ei.shape[1]
    pad = NS * EW - e
    ei = jnp.concatenate(
        [ei, jnp.stack([jnp.zeros((pad,), jnp.int32),
                        jnp.full((pad,), N_NODES, jnp.int32)])], axis=1)
    eidx = ei.reshape(2 * NS, NCH, C)

    xh = (x.reshape(N_NODES, NC, HD).swapaxes(0, 1)
          .reshape(NC * N_NODES, HD).astype(jnp.bfloat16))

    wn = W_neigh[jnp.array(_PERM), :]

    sums, cnts = _sc_call(xh, eidx)
    sums = sums.reshape(NC, ACC, HD)
    cnts = cnts.reshape(NC, ACC, CW)

    return pl.pallas_call(
        _tc_combine,
        grid=(N_NODES // BLK,),
        in_specs=[
            pl.BlockSpec((BLK, D), lambda i: (i, 0)),
            pl.BlockSpec((1, BLK, HD), lambda i: (0, i, 0)),
            pl.BlockSpec((1, BLK, HD), lambda i: (1, i, 0)),
            pl.BlockSpec((1, BLK, CW), lambda i: (0, i, 0)),
            pl.BlockSpec((1, BLK, CW), lambda i: (1, i, 0)),
            pl.BlockSpec((D, D), lambda i: (0, 0)),
            pl.BlockSpec((D, D), lambda i: (0, 0)),
        ],
        out_specs=pl.BlockSpec((BLK, 2 * D), lambda i: (i, 0)),
        out_shape=jax.ShapeDtypeStruct((N_NODES, 2 * D), jnp.float32),
    )(x, sums, sums, cnts, cnts, W_self, wn)

# --- scband reference (transcript-rebuilt; emitter-appended) ---
"""Pipeline reference for scband-sample-and-aggregate-31155692765914 (READ-ONLY COPY).

The authoritative reference and input builder live on the scoring server;
editing this copy changes nothing except your own understanding.
"""

import jax, jax.numpy as jnp
import numpy as np

N_NODES = 10000
N_EDGES = 320000
D_FEAT = 128
D_OUT = 128


def setup_inputs(seed: int = 0) -> dict:
    key = jax.random.key(seed)
    k1, k2, k3, k4 = jax.random.split(key, 4)
    x = jax.random.normal(k1, (N_NODES, D_FEAT), dtype=jnp.float32)
    edge_index = jax.random.randint(k2, (2, N_EDGES), 0, N_NODES, dtype=jnp.int64)
    # GraphSAGE MeanAggregator weights (glorot-ish scale)
    scale_self = 1.0 / np.sqrt(D_FEAT)
    W_self = jax.random.normal(k3, (D_FEAT, D_OUT), dtype=jnp.float32) * scale_self
    W_neigh = jax.random.normal(k4, (D_FEAT, D_OUT), dtype=jnp.float32) * scale_self
    return {"x": x, "edge_index": edge_index, "W_self": W_self, "W_neigh": W_neigh}


def reference(x, edge_index, W_self, W_neigh):
    # GraphSAGE sample-and-aggregate with mean aggregator (concat=True):
    # 1) gather neighbor features along edges
    # 2) mean-reduce messages per destination node (scatter-add + count normalize)
    # 3) concat(self transform, neighbor transform) -> ReLU
    src = edge_index[0]
    dst = edge_index[1]
    msgs = jnp.take(x, src, axis=0)                      # gather [E, d]
    summed = jax.ops.segment_sum(msgs, dst, num_segments=x.shape[0])
    counts = jax.ops.segment_sum(jnp.ones((edge_index.shape[1],), dtype=x.dtype), dst,
                                 num_segments=x.shape[0])
    neigh_mean = summed / jnp.clip(counts, 1.0)[:, None]
    from_self = x @ W_self
    from_neigh = neigh_mean @ W_neigh
    out = jnp.concatenate([from_self, from_neigh], axis=-1)
    return jax.nn.relu(out)

if __name__ == "__main__":
    import jax
    _d = setup_inputs()
    print(jax.jit(kernel)(*tuple(_d.values())))

</pallas_src>

<mosaic_0001>
#map = affine_map<(d0, d1) -> (0, 0)>
#map1 = affine_map<(d0, d1) -> (0, 0, 0)>
module attributes {stable_mosaic.version = 14 : i64} {
  func.func @_sc_aggregate(%arg0: i32, %arg1: i32, %arg2: memref<20000x64xbf16, #tpu.memory_space<hbm>>, %arg3: memref<32x160x128xi32, #tpu.memory_space<hbm>>, %arg4: memref<20480x64xf32, #tpu.memory_space<hbm>>, %arg5: memref<20480x16xf32, #tpu.memory_space<hbm>>, %arg6: memref<160x128xi32, #tpu.memory_space<vmem>>, %arg7: memref<160x128xi32, #tpu.memory_space<vmem>>, %arg8: memref<128xi32, #tpu.memory_space<vmem>>, %arg9: memref<128x64xbf16, #tpu.memory_space<vmem>>, %arg10: memref<128x64xbf16, #tpu.memory_space<vmem>>, %arg11: memref<128x64xf32, #tpu.memory_space<vmem>>, %arg12: memref<128x64xf32, #tpu.memory_space<vmem>>, %arg13: memref<128x16xf32, #tpu.memory_space<vmem>>, %arg14: memref<640x16xf32, #tpu.memory_space<vmem>>, %arg15: memref<!tpu.dma_semaphore, #tpu.memory_space<semaphore_mem>>, %arg16: memref<!tpu.dma_semaphore, #tpu.memory_space<semaphore_mem>>, %arg17: memref<!tpu.dma_semaphore, #tpu.memory_space<semaphore_mem>>, %arg18: memref<!tpu.dma_semaphore, #tpu.memory_space<semaphore_mem>>, %arg19: memref<!tpu.dma_semaphore, #tpu.memory_space<semaphore_mem>>, %arg20: memref<10240x64xf32, #tpu.memory_space<vmem_shared>>, %arg21: memref<10240x16xf32, #tpu.memory_space<vmem_shared>>) attributes {dimension_semantics = [#tpu.dimension_semantics<core_parallel>, #tpu.dimension_semantics<subcore_parallel>], iteration_bounds = array<i64: 2, 16>, scalar_prefetch = 0 : i64, scratch_operands = 16 : i64, tpu.core_type = #tpu.core_type<sc_vector_subcore>, window_params = [{transform_indices = #map}, {transform_indices = #map1}, {transform_indices = #map}, {transform_indices = #map}]} {
    "tpu.region"() ({
      %run_scoped3A = tpu.sem_alloc : memref<!tpu.dma_semaphore, #tpu.memory_space<semaphore_mem>>
      %dma_start3A_114 = arith.constant 0 : i32
      %dma_start3A_115 = arith.constant 0 : i32
      %dma_start3A_116 = tpu.memref_slice %arg3[%arg1, %dma_start3A_114, %dma_start3A_115] : memref<32x160x128xi32, #tpu.memory_space<hbm>> -> memref<1x160x128xi32, #tpu.memory_space<hbm>>
      %dma_start3A_117 = tpu.memref_squeeze %dma_start3A_116 : memref<1x160x128xi32, #tpu.memory_space<hbm>> -> memref<160x128xi32, #tpu.memory_space<hbm>>
      %dma_start3A_118 = arith.constant 0 : i32
      %dma_start3A_119 = arith.constant 0 : i32
      %dma_start3A_120 = tpu.memref_slice %arg3[%arg1, %dma_start3A_118, %dma_start3A_119] : memref<32x160x128xi32, #tpu.memory_space<hbm>> -> memref<1x160x128xi32, #tpu.memory_space<hbm>>
      %dma_start3A_121 = tpu.memref_squeeze %dma_start3A_120 : memref<1x160x128xi32, #tpu.memory_space<hbm>> -> memref<160x128xi32, #tpu.memory_space<hbm>>
      tpu.enqueue_dma source(%dma_start3A_121 : memref<160x128xi32, #tpu.memory_space<hbm>>) target(%arg6 : memref<160x128xi32, #tpu.memory_space<vmem>>) target_semaphore(%run_scoped3A : memref<!tpu.dma_semaphore, #tpu.memory_space<semaphore_mem>>)
      %dma_wait3A_122 = arith.constant 0 : i32
      %dma_wait3A_123 = arith.constant 0 : i32
      %dma_wait3A_124 = tpu.memref_slice %arg3[%arg1, %dma_wait3A_122, %dma_wait3A_123] : memref<32x160x128xi32, #tpu.memory_space<hbm>> -> memref<1x160x128xi32, #tpu.memory_space<hbm>>
      %dma_wait3A_125 = tpu.memref_squeeze %dma_wait3A_124 : memref<1x160x128xi32, #tpu.memory_space<hbm>> -> memref<160x128xi32, #tpu.memory_space<hbm>>
      %dma_wait3A_126 = arith.constant 0 : i32
      %dma_wait3A_127 = arith.constant 0 : i32
      %dma_wait3A_128 = tpu.memref_slice %arg3[%arg1, %dma_wait3A_126, %dma_wait3A_127] : memref<32x160x128xi32, #tpu.memory_space<hbm>> -> memref<1x160x128xi32, #tpu.memory_space<hbm>>
      %dma_wait3A_129 = tpu.memref_squeeze %dma_wait3A_128 : memref<1x160x128xi32, #tpu.memory_space<hbm>> -> memref<160x128xi32, #tpu.memory_space<hbm>>
      tpu.wait_dma2 semaphore(%run_scoped3A : memref<!tpu.dma_semaphore, #tpu.memory_space<semaphore_mem>>) src(%dma_wait3A_129 : memref<160x128xi32, #tpu.memory_space<hbm>>) dst(%arg6 : memref<160x128xi32, #tpu.memory_space<vmem>>)
      tpu.yield
    }) : () -> ()
    %add3A = arith.constant 16 : i32
    %add3A_0 = arith.addi %add3A, %arg1 : i32
    "tpu.region"() ({
      %run_scoped3A = tpu.sem_alloc : memref<!tpu.dma_semaphore, #tpu.memory_space<semaphore_mem>>
      %dma_start3A_114 = arith.constant 0 : i32
      %dma_start3A_115 = arith.constant 0 : i32
      %dma_start3A_116 = tpu.memref_slice %arg3[%add3A_0, %dma_start3A_114, %dma_start3A_115] : memref<32x160x128xi32, #tpu.memory_space<hbm>> -> memref<1x160x128xi32, #tpu.memory_space<hbm>>
      %dma_start3A_117 = tpu.memref_squeeze %dma_start3A_116 : memref<1x160x128xi32, #tpu.memory_space<hbm>> -> memref<160x128xi32, #tpu.memory_space<hbm>>
      %dma_start3A_118 = arith.constant 0 : i32
      %dma_start3A_119 = arith.constant 0 : i32
      %dma_start3A_120 = tpu.memref_slice %arg3[%add3A_0, %dma_start3A_118, %dma_start3A_119] : memref<32x160x128xi32, #tpu.memory_space<hbm>> -> memref<1x160x128xi32, #tpu.memory_space<hbm>>
      %dma_start3A_121 = tpu.memref_squeeze %dma_start3A_120 : memref<1x160x128xi32, #tpu.memory_space<hbm>> -> memref<160x128xi32, #tpu.memory_space<hbm>>
      tpu.enqueue_dma source(%dma_start3A_121 : memref<160x128xi32, #tpu.memory_space<hbm>>) target(%arg7 : memref<160x128xi32, #tpu.memory_space<vmem>>) target_semaphore(%run_scoped3A : memref<!tpu.dma_semaphore, #tpu.memory_space<semaphore_mem>>)
      %dma_wait3A_122 = arith.constant 0 : i32
      %dma_wait3A_123 = arith.constant 0 : i32
      %dma_wait3A_124 = tpu.memref_slice %arg3[%add3A_0, %dma_wait3A_122, %dma_wait3A_123] : memref<32x160x128xi32, #tpu.memory_space<hbm>> -> memref<1x160x128xi32, #tpu.memory_space<hbm>>
      %dma_wait3A_125 = tpu.memref_squeeze %dma_wait3A_124 : memref<1x160x128xi32, #tpu.memory_space<hbm>> -> memref<160x128xi32, #tpu.memory_space<hbm>>
      %dma_wait3A_126 = arith.constant 0 : i32
      %dma_wait3A_127 = arith.constant 0 : i32
      %dma_wait3A_128 = tpu.memref_slice %arg3[%add3A_0, %dma_wait3A_126, %dma_wait3A_127] : memref<32x160x128xi32, #tpu.memory_space<hbm>> -> memref<1x160x128xi32, #tpu.memory_space<hbm>>
      %dma_wait3A_129 = tpu.memref_squeeze %dma_wait3A_128 : memref<1x160x128xi32, #tpu.memory_space<hbm>> -> memref<160x128xi32, #tpu.memory_space<hbm>>
      tpu.wait_dma2 semaphore(%run_scoped3A : memref<!tpu.dma_semaphore, #tpu.memory_space<semaphore_mem>>) src(%dma_wait3A_129 : memref<160x128xi32, #tpu.memory_space<hbm>>) dst(%arg7 : memref<160x128xi32, #tpu.memory_space<vmem>>)
      tpu.yield
    }) : () -> ()
    %mul3A = arith.constant 10000 : i32
    %mul3A_1 = arith.muli %arg0, %mul3A : i32
    %scan3A = arith.constant 0 : i32
    %scan3A_2 = arith.constant 0 : i32
    %scan3A_3 = arith.constant 1280 : i32
    %scan3A_4 = arith.addi %scan3A_2, %scan3A_3 : i32
    %scan3A_5 = arith.constant 1 : i32
    %scan3A_6 = scf.for %scan3A_114 = %scan3A_2 to %scan3A_4 step %scan3A_5 iter_args(%scan3A_115 = %scan3A) -> (i32)  : i32 {
      %jit3A = arith.constant 8 : i32
      %div3A = arith.divsi %scan3A_114, %jit3A : i32
      %sign3A = arith.constant 0 : i32
      %sign3A_116 = arith.cmpi sgt, %scan3A_114, %sign3A : i32
      %sign3A_117 = arith.extui %sign3A_116 : i1 to i32
      %sign3A_118 = arith.constant 0 : i32
      %sign3A_119 = arith.cmpi slt, %scan3A_114, %sign3A_118 : i32
      %sign3A_120 = arith.extui %sign3A_119 : i1 to i32
      %sign3A_121 = arith.subi %sign3A_117, %sign3A_120 : i32
      %sign3A_122 = arith.constant 0 : i32
      %sign3A_123 = arith.cmpi sgt, %jit3A, %sign3A_122 : i32
      %sign3A_124 = arith.extui %sign3A_123 : i1 to i32
      %sign3A_125 = arith.constant 0 : i32
      %sign3A_126 = arith.cmpi slt, %jit3A, %sign3A_125 : i32
      %sign3A_127 = arith.extui %sign3A_126 : i1 to i32
      %sign3A_128 = arith.subi %sign3A_124, %sign3A_127 : i32
      %ne3A = arith.cmpi ne, %sign3A_121, %sign3A_128 : i32
      %rem3A = arith.remsi %scan3A_114, %jit3A : i32
      %ne3A_129 = arith.constant 0 : i32
      %ne3A_130 = arith.cmpi ne, %rem3A, %ne3A_129 : i32
      %and3A = arith.andi %ne3A, %ne3A_130 : i1
      %sub3A = arith.constant 1 : i32
      %sub3A_131 = arith.subi %div3A, %sub3A : i32
      %select_n3A = arith.select %and3A, %sub3A_131, %div3A : i32
      %jit3A_132 = arith.constant 8 : i32
      %eq3A = arith.constant 0 : i32
      %eq3A_133 = arith.cmpi eq, %jit3A_132, %eq3A : i32
      %jit3A_134 = arith.constant 1 : i32
      %select_n3A_135 = arith.select %eq3A_133, %jit3A_134, %jit3A_132 : i32
      %rem3A_136 = arith.remsi %scan3A_114, %select_n3A_135 : i32
      %ne3A_137 = arith.constant 0 : i32
      %ne3A_138 = arith.cmpi ne, %rem3A_136, %ne3A_137 : i32
      %lt3A = arith.constant 0 : i32
      %lt3A_139 = arith.cmpi slt, %rem3A_136, %lt3A : i32
      %lt3A_140 = arith.constant 0 : i32
      %lt3A_141 = arith.cmpi slt, %select_n3A_135, %lt3A_140 : i32
      %ne3A_142 = arith.xori %lt3A_139, %lt3A_141 : i1
      %and3A_143 = arith.andi %ne3A_142, %ne3A_138 : i1
      %add3A_144 = arith.addi %rem3A_136, %select_n3A_135 : i32
      %select_n3A_145 = arith.select %and3A_143, %add3A_144, %rem3A_136 : i32
      %mul3A_146 = arith.constant 16 : i32
      %mul3A_147 = arith.muli %select_n3A_145, %mul3A_146 : i32
      %get3A = arith.index_cast %select_n3A : i32 to index
      %get3A_148 = arith.index_cast %mul3A_147 : i32 to index
      %get3A_149 = tpu.vector_load %arg6[%get3A, %get3A_148] {strides = array<i32>} : memref<160x128xi32, #tpu.memory_space<vmem>>, vector<16xi32>,
      %add3A_150 = vector.broadcast %mul3A_1 : i32 to vector<16xi32>
      %add3A_151 = arith.addi %get3A_149, %add3A_150 : vector<16xi32>
      %swap3A = arith.index_cast %select_n3A : i32 to index
      %swap3A_152 = arith.index_cast %mul3A_147 : i32 to index
      %swap3A_153 = tpu.vector_load %arg6[%swap3A, %swap3A_152] {strides = array<i32>} : memref<160x128xi32, #tpu.memory_space<vmem>>, vector<16xi32>,
      tpu.vector_store %arg6[%swap3A, %swap3A_152], %add3A_151 {strides = array<i32>} : memref<160x128xi32, #tpu.memory_space<vmem>>, vector<16xi32>,
      %scan3A_154 = arith.constant 0 : i32
      scf.yield %scan3A_154 : i32
    }
    %scan3A_7 = arith.constant 1280 : i32
    %scan3A_8 = arith.constant 0 : i32
    %scan3A_9 = arith.constant 0 : i32
    %scan3A_10 = arith.constant 8 : i32
    %scan3A_11 = arith.addi %scan3A_9, %scan3A_10 : i32
    %scan3A_12 = arith.constant 1 : i32
    %scan3A_13 = scf.for %scan3A_114 = %scan3A_9 to %scan3A_11 step %scan3A_12 iter_args(%scan3A_115 = %scan3A_8) -> (i32)  : i32 {
      %broadcast_in_dim3A = arith.constant 10000 : i32
      %broadcast_in_dim3A_116 = vector.broadcast %broadcast_in_dim3A : i32 to vector<16xi32>
      %mul3A_117 = arith.constant 16 : i32
      %mul3A_118 = arith.muli %scan3A_114, %mul3A_117 : i32
      %swap3A = arith.index_cast %mul3A_118 : i32 to index
      %swap3A_119 = tpu.vector_load %arg8[%swap3A] {strides = array<i32>} : memref<128xi32, #tpu.memory_space<vmem>>, vector<16xi32>,
      tpu.vector_store %arg8[%swap3A], %broadcast_in_dim3A_116 {strides = array<i32>} : memref<128xi32, #tpu.memory_space<vmem>>, vector<16xi32>,
      %scan3A_120 = arith.constant 0 : i32
      scf.yield %scan3A_120 : i32
    }
    %scan3A_14 = arith.constant 8 : i32
    %scan3A_15 = arith.constant 0 : i32
    %scan3A_16 = arith.constant 0 : i32
    %scan3A_17 = arith.constant 512 : i32
    %scan3A_18 = arith.addi %scan3A_16, %scan3A_17 : i32
    %scan3A_19 = arith.constant 1 : i32
    %scan3A_20 = scf.for %scan3A_114 = %scan3A_16 to %scan3A_18 step %scan3A_19 iter_args(%scan3A_115 = %scan3A_15) -> (i32)  : i32 {
      %jit3A = arith.constant 4 : i32
      %div3A = arith.divsi %scan3A_114, %jit3A : i32
      %sign3A = arith.constant 0 : i32
      %sign3A_116 = arith.cmpi sgt, %scan3A_114, %sign3A : i32
      %sign3A_117 = arith.extui %sign3A_116 : i1 to i32
      %sign3A_118 = arith.constant 0 : i32
      %sign3A_119 = arith.cmpi slt, %scan3A_114, %sign3A_118 : i32
      %sign3A_120 = arith.extui %sign3A_119 : i1 to i32
      %sign3A_121 = arith.subi %sign3A_117, %sign3A_120 : i32
      %sign3A_122 = arith.constant 0 : i32
      %sign3A_123 = arith.cmpi sgt, %jit3A, %sign3A_122 : i32
      %sign3A_124 = arith.extui %sign3A_123 : i1 to i32
      %sign3A_125 = arith.constant 0 : i32
      %sign3A_126 = arith.cmpi slt, %jit3A, %sign3A_125 : i32
      %sign3A_127 = arith.extui %sign3A_126 : i1 to i32
      %sign3A_128 = arith.subi %sign3A_124, %sign3A_127 : i32
      %ne3A = arith.cmpi ne, %sign3A_121, %sign3A_128 : i32
      %rem3A = arith.remsi %scan3A_114, %jit3A : i32
      %ne3A_129 = arith.constant 0 : i32
      %ne3A_130 = arith.cmpi ne, %rem3A, %ne3A_129 : i32
      %and3A = arith.andi %ne3A, %ne3A_130 : i1
      %sub3A = arith.constant 1 : i32
      %sub3A_131 = arith.subi %div3A, %sub3A : i32
      %select_n3A = arith.select %and3A, %sub3A_131, %div3A : i32
      %jit3A_132 = arith.constant 4 : i32
      %eq3A = arith.constant 0 : i32
      %eq3A_133 = arith.cmpi eq, %jit3A_132, %eq3A : i32
      %jit3A_134 = arith.constant 1 : i32
      %select_n3A_135 = arith.select %eq3A_133, %jit3A_134, %jit3A_132 : i32
      %rem3A_136 = arith.remsi %scan3A_114, %select_n3A_135 : i32
      %ne3A_137 = arith.constant 0 : i32
      %ne3A_138 = arith.cmpi ne, %rem3A_136, %ne3A_137 : i32
      %lt3A = arith.constant 0 : i32
      %lt3A_139 = arith.cmpi slt, %rem3A_136, %lt3A : i32
      %lt3A_140 = arith.constant 0 : i32
      %lt3A_141 = arith.cmpi slt, %select_n3A_135, %lt3A_140 : i32
      %ne3A_142 = arith.xori %lt3A_139, %lt3A_141 : i1
      %and3A_143 = arith.andi %ne3A_142, %ne3A_138 : i1
      %add3A_144 = arith.addi %rem3A_136, %select_n3A_135 : i32
      %select_n3A_145 = arith.select %and3A_143, %add3A_144, %rem3A_136 : i32
      %mul3A_146 = arith.constant 16 : i32
      %mul3A_147 = arith.muli %select_n3A_145, %mul3A_146 : i32
      %broadcast_in_dim3A = arith.constant 0.000000e+00 : f32
      %broadcast_in_dim3A_148 = vector.broadcast %broadcast_in_dim3A : f32 to vector<16xf32>
      %swap3A = arith.index_cast %select_n3A : i32 to index
      %swap3A_149 = arith.index_cast %mul3A_147 : i32 to index
      %swap3A_150 = tpu.vector_load %arg11[%swap3A, %swap3A_149] {strides = array<i32>} : memref<128x64xf32, #tpu.memory_space<vmem>>, vector<16xf32>,
      tpu.vector_store %arg11[%swap3A, %swap3A_149], %broadcast_in_dim3A_148 {strides = array<i32>} : memref<128x64xf32, #tpu.memory_space<vmem>>, vector<16xf32>,
      %broadcast_in_dim3A_151 = arith.constant 0.000000e+00 : f32
      %broadcast_in_dim3A_152 = vector.broadcast %broadcast_in_dim3A_151 : f32 to vector<16xf32>
      %swap3A_153 = arith.index_cast %select_n3A : i32 to index
      %swap3A_154 = arith.index_cast %mul3A_147 : i32 to index
      %swap3A_155 = tpu.vector_load %arg12[%swap3A_153, %swap3A_154] {strides = array<i32>} : memref<128x64xf32, #tpu.memory_space<vmem>>, vector<16xf32>,
      tpu.vector_store %arg12[%swap3A_153, %swap3A_154], %broadcast_in_dim3A_152 {strides = array<i32>} : memref<128x64xf32, #tpu.memory_space<vmem>>, vector<16xf32>,
      %scan3A_156 = arith.constant 0 : i32
      scf.yield %scan3A_156 : i32
    }
    %scan3A_21 = arith.constant 512 : i32
    %scan3A_22 = arith.constant 0 : i32
    %scan3A_23 = arith.constant 0 : i32
    %scan3A_24 = arith.constant 128 : i32
    %scan3A_25 = arith.addi %scan3A_23, %scan3A_24 : i32
    %scan3A_26 = arith.constant 1 : i32
    %scan3A_27 = scf.for %scan3A_114 = %scan3A_23 to %scan3A_25 step %scan3A_26 iter_args(%scan3A_115 = %scan3A_22) -> (i32)  : i32 {
      %broadcast_in_dim3A = arith.constant 1.000000e+00 : f32
      %broadcast_in_dim3A_116 = vector.broadcast %broadcast_in_dim3A : f32 to vector<16xf32>
      %swap3A = arith.index_cast %scan3A_114 : i32 to index
      %swap3A_117 = arith.constant 0 : index
      %swap3A_118 = tpu.vector_load %arg13[%swap3A, %swap3A_117] {strides = array<i32>} : memref<128x16xf32, #tpu.memory_space<vmem>>, vector<16xf32>,
      tpu.vector_store %arg13[%swap3A, %swap3A_117], %broadcast_in_dim3A_116 {strides = array<i32>} : memref<128x16xf32, #tpu.memory_space<vmem>>, vector<16xf32>,
      %scan3A_119 = arith.constant 0 : i32
      scf.yield %scan3A_119 : i32
    }
    %scan3A_28 = arith.constant 128 : i32
    %scan3A_29 = arith.constant 0 : i32
    %scan3A_30 = arith.constant 0 : i32
    %scan3A_31 = arith.constant 640 : i32
    %scan3A_32 = arith.addi %scan3A_30, %scan3A_31 : i32
    %scan3A_33 = arith.constant 1 : i32
    %scan3A_34 = scf.for %scan3A_114 = %scan3A_30 to %scan3A_32 step %scan3A_33 iter_args(%scan3A_115 = %scan3A_29) -> (i32)  : i32 {
      %broadcast_in_dim3A = arith.constant 0.000000e+00 : f32
      %broadcast_in_dim3A_116 = vector.broadcast %broadcast_in_dim3A : f32 to vector<16xf32>
      %swap3A = arith.index_cast %scan3A_114 : i32 to index
      %swap3A_117 = arith.constant 0 : index
      %swap3A_118 = tpu.vector_load %arg14[%swap3A, %swap3A_117] {strides = array<i32>} : memref<640x16xf32, #tpu.memory_space<vmem>>, vector<16xf32>,
      tpu.vector_store %arg14[%swap3A, %swap3A_117], %broadcast_in_dim3A_116 {strides = array<i32>} : memref<640x16xf32, #tpu.memory_space<vmem>>, vector<16xf32>,
      %scan3A_119 = arith.constant 0 : i32
      scf.yield %scan3A_119 : i32
    }
    %scan3A_35 = arith.constant 640 : i32
    %mul3A_36 = arith.constant 640 : i32
    %mul3A_37 = arith.muli %arg1, %mul3A_36 : i32
    %add3A_38 = arith.constant 0 : i32
    %add3A_39 = arith.addi %mul3A_37, %add3A_38 : i32
    "tpu.region"() ({
      %run_scoped3A = tpu.sem_alloc : memref<!tpu.dma_semaphore, #tpu.memory_space<semaphore_mem>>
      %dma_start3A_114 = arith.constant 0 : i32
      %dma_start3A_115 = tpu.memref_slice %arg20[%add3A_39, %dma_start3A_114] : memref<10240x64xf32, #tpu.memory_space<vmem_shared>> -> memref<128x64xf32, #tpu.memory_space<vmem_shared>>
      %dma_start3A_116 = arith.constant 0 : i32
      %dma_start3A_117 = tpu.memref_slice %arg20[%add3A_39, %dma_start3A_116] : memref<10240x64xf32, #tpu.memory_space<vmem_shared>> -> memref<128x64xf32, #tpu.memory_space<vmem_shared>>
      tpu.enqueue_dma source(%arg11 : memref<128x64xf32, #tpu.memory_space<vmem>>) target(%dma_start3A_117 : memref<128x64xf32, #tpu.memory_space<vmem_shared>>) target_semaphore(%run_scoped3A : memref<!tpu.dma_semaphore, #tpu.memory_space<semaphore_mem>>)
      %dma_wait3A_118 = arith.constant 0 : i32
      %dma_wait3A_119 = tpu.memref_slice %arg20[%add3A_39, %dma_wait3A_118] : memref<10240x64xf32, #tpu.memory_space<vmem_shared>> -> memref<128x64xf32, #tpu.memory_space<vmem_shared>>
      %dma_wait3A_120 = arith.constant 0 : i32
      %dma_wait3A_121 = tpu.memref_slice %arg20[%add3A_39, %dma_wait3A_120] : memref<10240x64xf32, #tpu.memory_space<vmem_shared>> -> memref<128x64xf32, #tpu.memory_space<vmem_shared>>
      tpu.wait_dma2 semaphore(%run_scoped3A : memref<!tpu.dma_semaphore, #tpu.memory_space<semaphore_mem>>) src(%arg11 : memref<128x64xf32, #tpu.memory_space<vmem>>) dst(%dma_wait3A_121 : memref<128x64xf32, #tpu.memory_space<vmem_shared>>)
      tpu.yield
    }) : () -> ()
    %add3A_40 = arith.constant 128 : i32
    %add3A_41 = arith.addi %mul3A_37, %add3A_40 : i32
    "tpu.region"() ({
      %run_scoped3A = tpu.sem_alloc : memref<!tpu.dma_semaphore, #tpu.memory_space<semaphore_mem>>
      %dma_start3A_114 = arith.constant 0 : i32
      %dma_start3A_115 = tpu.memref_slice %arg20[%add3A_41, %dma_start3A_114] : memref<10240x64xf32, #tpu.memory_space<vmem_shared>> -> memref<128x64xf32, #tpu.memory_space<vmem_shared>>
      %dma_start3A_116 = arith.constant 0 : i32
      %dma_start3A_117 = tpu.memref_slice %arg20[%add3A_41, %dma_start3A_116] : memref<10240x64xf32, #tpu.memory_space<vmem_shared>> -> memref<128x64xf32, #tpu.memory_space<vmem_shared>>
      tpu.enqueue_dma source(%arg11 : memref<128x64xf32, #tpu.memory_space<vmem>>) target(%dma_start3A_117 : memref<128x64xf32, #tpu.memory_space<vmem_shared>>) target_semaphore(%run_scoped3A : memref<!tpu.dma_semaphore, #tpu.memory_space<semaphore_mem>>)
      %dma_wait3A_118 = arith.constant 0 : i32
      %dma_wait3A_119 = tpu.memref_slice %arg20[%add3A_41, %dma_wait3A_118] : memref<10240x64xf32, #tpu.memory_space<vmem_shared>> -> memref<128x64xf32, #tpu.memory_space<vmem_shared>>
      %dma_wait3A_120 = arith.constant 0 : i32
      %dma_wait3A_121 = tpu.memref_slice %arg20[%add3A_41, %dma_wait3A_120] : memref<10240x64xf32, #tpu.memory_space<vmem_shared>> -> memref<128x64xf32, #tpu.memory_space<vmem_shared>>
      tpu.wait_dma2 semaphore(%run_scoped3A : memref<!tpu.dma_semaphore, #tpu.memory_space<semaphore_mem>>) src(%arg11 : memref<128x64xf32, #tpu.memory_space<vmem>>) dst(%dma_wait3A_121 : memref<128x64xf32, #tpu.memory_space<vmem_shared>>)
      tpu.yield
    }) : () -> ()
    %add3A_42 = arith.constant 256 : i32
    %add3A_43 = arith.addi %mul3A_37, %add3A_42 : i32
    "tpu.region"() ({
      %run_scoped3A = tpu.sem_alloc : memref<!tpu.dma_semaphore, #tpu.memory_space<semaphore_mem>>
      %dma_start3A_114 = arith.constant 0 : i32
      %dma_start3A_115 = tpu.memref_slice %arg20[%add3A_43, %dma_start3A_114] : memref<10240x64xf32, #tpu.memory_space<vmem_shared>> -> memref<128x64xf32, #tpu.memory_space<vmem_shared>>
      %dma_start3A_116 = arith.constant 0 : i32
      %dma_start3A_117 = tpu.memref_slice %arg20[%add3A_43, %dma_start3A_116] : memref<10240x64xf32, #tpu.memory_space<vmem_shared>> -> memref<128x64xf32, #tpu.memory_space<vmem_shared>>
      tpu.enqueue_dma source(%arg11 : memref<128x64xf32, #tpu.memory_space<vmem>>) target(%dma_start3A_117 : memref<128x64xf32, #tpu.memory_space<vmem_shared>>) target_semaphore(%run_scoped3A : memref<!tpu.dma_semaphore, #tpu.memory_space<semaphore_mem>>)
      %dma_wait3A_118 = arith.constant 0 : i32
      %dma_wait3A_119 = tpu.memref_slice %arg20[%add3A_43, %dma_wait3A_118] : memref<10240x64xf32, #tpu.memory_space<vmem_shared>> -> memref<128x64xf32, #tpu.memory_space<vmem_shared>>
      %dma_wait3A_120 = arith.constant 0 : i32
      %dma_wait3A_121 = tpu.memref_slice %arg20[%add3A_43, %dma_wait3A_120] : memref<10240x64xf32, #tpu.memory_space<vmem_shared>> -> memref<128x64xf32, #tpu.memory_space<vmem_shared>>
      tpu.wait_dma2 semaphore(%run_scoped3A : memref<!tpu.dma_semaphore, #tpu.memory_space<semaphore_mem>>) src(%arg11 : memref<128x64xf32, #tpu.memory_space<vmem>>) dst(%dma_wait3A_121 : memref<128x64xf32, #tpu.memory_space<vmem_shared>>)
      tpu.yield
    }) : () -> ()
    %add3A_44 = arith.constant 384 : i32
    %add3A_45 = arith.addi %mul3A_37, %add3A_44 : i32
    "tpu.region"() ({
      %run_scoped3A = tpu.sem_alloc : memref<!tpu.dma_semaphore, #tpu.memory_space<semaphore_mem>>
      %dma_start3A_114 = arith.constant 0 : i32
      %dma_start3A_115 = tpu.memref_slice %arg20[%add3A_45, %dma_start3A_114] : memref<10240x64xf32, #tpu.memory_space<vmem_shared>> -> memref<128x64xf32, #tpu.memory_space<vmem_shared>>
      %dma_start3A_116 = arith.constant 0 : i32
      %dma_start3A_117 = tpu.memref_slice %arg20[%add3A_45, %dma_start3A_116] : memref<10240x64xf32, #tpu.memory_space<vmem_shared>> -> memref<128x64xf32, #tpu.memory_space<vmem_shared>>
      tpu.enqueue_dma source(%arg11 : memref<128x64xf32, #tpu.memory_space<vmem>>) target(%dma_start3A_117 : memref<128x64xf32, #tpu.memory_space<vmem_shared>>) target_semaphore(%run_scoped3A : memref<!tpu.dma_semaphore, #tpu.memory_space<semaphore_mem>>)
      %dma_wait3A_118 = arith.constant 0 : i32
      %dma_wait3A_119 = tpu.memref_slice %arg20[%add3A_45, %dma_wait3A_118] : memref<10240x64xf32, #tpu.memory_space<vmem_shared>> -> memref<128x64xf32, #tpu.memory_space<vmem_shared>>
      %dma_wait3A_120 = arith.constant 0 : i32
      %dma_wait3A_121 = tpu.memref_slice %arg20[%add3A_45, %dma_wait3A_120] : memref<10240x64xf32, #tpu.memory_space<vmem_shared>> -> memref<128x64xf32, #tpu.memory_space<vmem_shared>>
      tpu.wait_dma2 semaphore(%run_scoped3A : memref<!tpu.dma_semaphore, #tpu.memory_space<semaphore_mem>>) src(%arg11 : memref<128x64xf32, #tpu.memory_space<vmem>>) dst(%dma_wait3A_121 : memref<128x64xf32, #tpu.memory_space<vmem_shared>>)
      tpu.yield
    }) : () -> ()
    %add3A_46 = arith.constant 512 : i32
    %add3A_47 = arith.addi %mul3A_37, %add3A_46 : i32
    "tpu.region"() ({
      %run_scoped3A = tpu.sem_alloc : memref<!tpu.dma_semaphore, #tpu.memory_space<semaphore_mem>>
      %dma_start3A_114 = arith.constant 0 : i32
      %dma_start3A_115 = tpu.memref_slice %arg20[%add3A_47, %dma_start3A_114] : memref<10240x64xf32, #tpu.memory_space<vmem_shared>> -> memref<128x64xf32, #tpu.memory_space<vmem_shared>>
      %dma_start3A_116 = arith.constant 0 : i32
      %dma_start3A_117 = tpu.memref_slice %arg20[%add3A_47, %dma_start3A_116] : memref<10240x64xf32, #tpu.memory_space<vmem_shared>> -> memref<128x64xf32, #tpu.memory_space<vmem_shared>>
      tpu.enqueue_dma source(%arg11 : memref<128x64xf32, #tpu.memory_space<vmem>>) target(%dma_start3A_117 : memref<128x64xf32, #tpu.memory_space<vmem_shared>>) target_semaphore(%run_scoped3A : memref<!tpu.dma_semaphore, #tpu.memory_space<semaphore_mem>>)
      %dma_wait3A_118 = arith.constant 0 : i32
      %dma_wait3A_119 = tpu.memref_slice %arg20[%add3A_47, %dma_wait3A_118] : memref<10240x64xf32, #tpu.memory_space<vmem_shared>> -> memref<128x64xf32, #tpu.memory_space<vmem_shared>>
      %dma_wait3A_120 = arith.constant 0 : i32
      %dma_wait3A_121 = tpu.memref_slice %arg20[%add3A_47, %dma_wait3A_120] : memref<10240x64xf32, #tpu.memory_space<vmem_shared>> -> memref<128x64xf32, #tpu.memory_space<vmem_shared>>
      tpu.wait_dma2 semaphore(%run_scoped3A : memref<!tpu.dma_semaphore, #tpu.memory_space<semaphore_mem>>) src(%arg11 : memref<128x64xf32, #tpu.memory_space<vmem>>) dst(%dma_wait3A_121 : memref<128x64xf32, #tpu.memory_space<vmem_shared>>)
      tpu.yield
    }) : () -> ()
    "tpu.region"() ({
      %run_scoped3A = tpu.sem_alloc : memref<!tpu.dma_semaphore, #tpu.memory_space<semaphore_mem>>
      %dma_start3A_114 = arith.constant 0 : i32
      %dma_start3A_115 = tpu.memref_slice %arg21[%mul3A_37, %dma_start3A_114] : memref<10240x16xf32, #tpu.memory_space<vmem_shared>> -> memref<640x16xf32, #tpu.memory_space<vmem_shared>>
      %dma_start3A_116 = arith.constant 0 : i32
      %dma_start3A_117 = tpu.memref_slice %arg21[%mul3A_37, %dma_start3A_116] : memref<10240x16xf32, #tpu.memory_space<vmem_shared>> -> memref<640x16xf32, #tpu.memory_space<vmem_shared>>
      tpu.enqueue_dma source(%arg14 : memref<640x16xf32, #tpu.memory_space<vmem>>) target(%dma_start3A_117 : memref<640x16xf32, #tpu.memory_space<vmem_shared>>) target_semaphore(%run_scoped3A : memref<!tpu.dma_semaphore, #tpu.memory_space<semaphore_mem>>)
      %dma_wait3A_118 = arith.constant 0 : i32
      %dma_wait3A_119 = tpu.memref_slice %arg21[%mul3A_37, %dma_wait3A_118] : memref<10240x16xf32, #tpu.memory_space<vmem_shared>> -> memref<640x16xf32, #tpu.memory_space<vmem_shared>>
      %dma_wait3A_120 = arith.constant 0 : i32
      %dma_wait3A_121 = tpu.memref_slice %arg21[%mul3A_37, %dma_wait3A_120] : memref<10240x16xf32, #tpu.memory_space<vmem_shared>> -> memref<640x16xf32, #tpu.memory_space<vmem_shared>>
      tpu.wait_dma2 semaphore(%run_scoped3A : memref<!tpu.dma_semaphore, #tpu.memory_space<semaphore_mem>>) src(%arg14 : memref<640x16xf32, #tpu.memory_space<vmem>>) dst(%dma_wait3A_121 : memref<640x16xf32, #tpu.memory_space<vmem_shared>>)
      tpu.yield
    }) : () -> ()
    %barrier3A = arith.constant 0 : index
    tpu.barrier barrier_id(%barrier3A)
    %mul3A_48 = arith.constant 80 : i32
    %mul3A_49 = arith.muli %arg0, %mul3A_48 : i32
    %dma_start3A = arith.constant 0 : i32
    %dma_start3A_50 = arith.constant 0 : i32
    %dma_start3A_51 = tpu.memref_slice %arg6[%dma_start3A, %dma_start3A_50] : memref<160x128xi32, #tpu.memory_space<vmem>> -> memref<1x128xi32, #tpu.memory_space<vmem>>
    %dma_start3A_52 = tpu.memref_squeeze %dma_start3A_51 : memref<1x128xi32, #tpu.memory_space<vmem>> -> memref<128xi32, #tpu.memory_space<vmem>>
    %dma_start3A_53 = arith.constant 0 : i32
    %dma_start3A_54 = arith.constant 0 : i32
    %dma_start3A_55 = tpu.memref_slice %arg2[%dma_start3A_53, %dma_start3A_54] : memref<20000x64xbf16, #tpu.memory_space<hbm>> -> memref<20000x64xbf16, #tpu.memory_space<hbm>>
    tpu.enqueue_indirect_dma source(%dma_start3A_55 : memref<20000x64xbf16, #tpu.memory_space<hbm>>) target(%arg9 : memref<128x64xbf16, #tpu.memory_space<vmem>>) offsets(%dma_start3A_52 : memref<128xi32, #tpu.memory_space<vmem>>) semaphore(%arg15 : memref<!tpu.dma_semaphore, #tpu.memory_space<semaphore_mem>>)
    %dma_start3A_56 = arith.constant 1 : i32
    %dma_start3A_57 = arith.constant 0 : i32
    %dma_start3A_58 = tpu.memref_slice %arg6[%dma_start3A_56, %dma_start3A_57] : memref<160x128xi32, #tpu.memory_space<vmem>> -> memref<1x128xi32, #tpu.memory_space<vmem>>
    %dma_start3A_59 = tpu.memref_squeeze %dma_start3A_58 : memref<1x128xi32, #tpu.memory_space<vmem>> -> memref<128xi32, #tpu.memory_space<vmem>>
    %dma_start3A_60 = arith.constant 0 : i32
    %dma_start3A_61 = arith.constant 0 : i32
    %dma_start3A_62 = tpu.memref_slice %arg2[%dma_start3A_60, %dma_start3A_61] : memref<20000x64xbf16, #tpu.memory_space<hbm>> -> memref<20000x64xbf16, #tpu.memory_space<hbm>>
    tpu.enqueue_indirect_dma source(%dma_start3A_62 : memref<20000x64xbf16, #tpu.memory_space<hbm>>) target(%arg10 : memref<128x64xbf16, #tpu.memory_space<vmem>>) offsets(%dma_start3A_59 : memref<128xi32, #tpu.memory_space<vmem>>) semaphore(%arg16 : memref<!tpu.dma_semaphore, #tpu.memory_space<semaphore_mem>>)
    %dma_start3A_63 = arith.constant 0 : i32
    %dma_start3A_64 = arith.constant 0 : i32
    %dma_start3A_65 = tpu.memref_slice %arg20[%dma_start3A_63, %dma_start3A_64] : memref<10240x64xf32, #tpu.memory_space<vmem_shared>> -> memref<10240x64xf32, #tpu.memory_space<vmem_shared>>
    tpu.enqueue_indirect_dma source(%arg11 : memref<128x64xf32, #tpu.memory_space<vmem>>) target(%dma_start3A_65 : memref<10240x64xf32, #tpu.memory_space<vmem_shared>>) offsets(%arg8 : memref<128xi32, #tpu.memory_space<vmem>>) semaphore(%arg17 : memref<!tpu.dma_semaphore, #tpu.memory_space<semaphore_mem>>) {add = true}
    %dma_start3A_66 = arith.constant 0 : i32
    %dma_start3A_67 = arith.constant 0 : i32
    %dma_start3A_68 = tpu.memref_slice %arg20[%dma_start3A_66, %dma_start3A_67] : memref<10240x64xf32, #tpu.memory_space<vmem_shared>> -> memref<10240x64xf32, #tpu.memory_space<vmem_shared>>
    tpu.enqueue_indirect_dma source(%arg12 : memref<128x64xf32, #tpu.memory_space<vmem>>) target(%dma_start3A_68 : memref<10240x64xf32, #tpu.memory_space<vmem_shared>>) offsets(%arg8 : memref<128xi32, #tpu.memory_space<vmem>>) semaphore(%arg18 : memref<!tpu.dma_semaphore, #tpu.memory_space<semaphore_mem>>) {add = true}
    %dma_start3A_69 = arith.constant 0 : i32
    %dma_start3A_70 = arith.constant 0 : i32
    %dma_start3A_71 = tpu.memref_slice %arg14[%dma_start3A_69, %dma_start3A_70] : memref<640x16xf32, #tpu.memory_space<vmem>> -> memref<128x16xf32, #tpu.memory_space<vmem>>
    %dma_start3A_72 = arith.constant 0 : i32
    %dma_start3A_73 = arith.constant 0 : i32
    %dma_start3A_74 = tpu.memref_slice %arg21[%dma_start3A_72, %dma_start3A_73] : memref<10240x16xf32, #tpu.memory_space<vmem_shared>> -> memref<10240x16xf32, #tpu.memory_space<vmem_shared>>
    tpu.enqueue_indirect_dma source(%dma_start3A_71 : memref<128x16xf32, #tpu.memory_space<vmem>>) target(%dma_start3A_74 : memref<10240x16xf32, #tpu.memory_space<vmem_shared>>) offsets(%arg8 : memref<128xi32, #tpu.memory_space<vmem>>) semaphore(%arg19 : memref<!tpu.dma_semaphore, #tpu.memory_space<semaphore_mem>>) {add = true}
    %scan3A_75 = arith.constant 0 : i32
    %scan3A_76 = arith.constant 0 : i32
    %scan3A_77 = arith.constant 80 : i32
    %scan3A_78 = arith.addi %scan3A_76, %scan3A_77 : i32
    %scan3A_79 = arith.constant 1 : i32
    %scan3A_80 = scf.for %scan3A_114 = %scan3A_76 to %scan3A_78 step %scan3A_79 iter_args(%scan3A_115 = %scan3A_75) -> (i32)  : i32 {
      %mul3A_116 = arith.constant 2 : i32
      %mul3A_117 = arith.muli %scan3A_114, %mul3A_116 : i32
      %dma_wait3A_118 = arith.constant 0 : i32
      %dma_wait3A_119 = tpu.memref_slice %arg6[%mul3A_117, %dma_wait3A_118] : memref<160x128xi32, #tpu.memory_space<vmem>> -> memref<1x128xi32, #tpu.memory_space<vmem>>
      %dma_wait3A_120 = tpu.memref_squeeze %dma_wait3A_119 : memref<1x128xi32, #tpu.memory_space<vmem>> -> memref<128xi32, #tpu.memory_space<vmem>>
      %dma_wait3A_121 = arith.constant 0 : i32
      %dma_wait3A_122 = arith.constant 0 : i32
      %dma_wait3A_123 = tpu.memref_slice %arg2[%dma_wait3A_121, %dma_wait3A_122] : memref<20000x64xbf16, #tpu.memory_space<hbm>> -> memref<20000x64xbf16, #tpu.memory_space<hbm>>
      tpu.wait_indirect_dma semaphore(%arg15 : memref<!tpu.dma_semaphore, #tpu.memory_space<semaphore_mem>>) src(%dma_wait3A_123 : memref<20000x64xbf16, #tpu.memory_space<hbm>>) dst(%arg9 : memref<128x64xbf16, #tpu.memory_space<vmem>>)
      %dma_wait3A_124 = arith.constant 0 : i32
      %dma_wait3A_125 = arith.constant 0 : i32
      %dma_wait3A_126 = tpu.memref_slice %arg20[%dma_wait3A_124, %dma_wait3A_125] : memref<10240x64xf32, #tpu.memory_space<vmem_shared>> -> memref<10240x64xf32, #tpu.memory_space<vmem_shared>>
      tpu.wait_indirect_dma semaphore(%arg17 : memref<!tpu.dma_semaphore, #tpu.memory_space<semaphore_mem>>) src(%arg11 : memref<128x64xf32, #tpu.memory_space<vmem>>) dst(%dma_wait3A_126 : memref<10240x64xf32, #tpu.memory_space<vmem_shared>>)
      %scan3A_127 = arith.constant 0 : i32
      %scan3A_128 = arith.constant 0 : i32
      %scan3A_129 = arith.constant 64 : i32
      %scan3A_130 = arith.addi %scan3A_128, %scan3A_129 : i32
      %scan3A_131 = arith.constant 1 : i32
      %scan3A_132 = scf.for %scan3A_199 = %scan3A_128 to %scan3A_130 step %scan3A_131 iter_args(%scan3A_200 = %scan3A_127) -> (i32)  : i32 {
        %mul3A_201 = arith.constant 2 : i32
        %mul3A_202 = arith.muli %scan3A_199, %mul3A_201 : i32
        %add3A_203 = arith.constant 1 : i32
        %add3A_204 = arith.addi %mul3A_202, %add3A_203 : i32
        %get3A = arith.index_cast %mul3A_202 : i32 to index
        %get3A_205 = arith.constant 0 : index
        %get3A_206 = tpu.vector_load %arg9[%get3A, %get3A_205] {strides = array<i32>} : memref<128x64xbf16, #tpu.memory_space<vmem>>, vector<32xbf16>,
        %unpack3A = tpu.unpack_subelements %get3A_206, 0 {pack_format = #tpu.pack_format<interleaved>} : vector<32xbf16> -> vector<16xf32>
        %unpack3A_207 = tpu.unpack_subelements %get3A_206, 1 {pack_format = #tpu.pack_format<interleaved>} : vector<32xbf16> -> vector<16xf32>
        %swap3A = arith.index_cast %mul3A_202 : i32 to index
        %swap3A_208 = arith.constant 0 : index
        %swap3A_209 = tpu.vector_load %arg11[%swap3A, %swap3A_208] {strides = array<i32>} : memref<128x64xf32, #tpu.memory_space<vmem>>, vector<16xf32>,
        tpu.vector_store %arg11[%swap3A, %swap3A_208], %unpack3A {strides = array<i32>} : memref<128x64xf32, #tpu.memory_space<vmem>>, vector<16xf32>,
        %swap3A_210 = arith.index_cast %mul3A_202 : i32 to index
        %swap3A_211 = arith.constant 16 : index
        %swap3A_212 = tpu.vector_load %arg11[%swap3A_210, %swap3A_211] {strides = array<i32>} : memref<128x64xf32, #tpu.memory_space<vmem>>, vector<16xf32>,
        tpu.vector_store %arg11[%swap3A_210, %swap3A_211], %unpack3A_207 {strides = array<i32>} : memref<128x64xf32, #tpu.memory_space<vmem>>, vector<16xf32>,
        %get3A_213 = arith.index_cast %mul3A_202 : i32 to index
        %get3A_214 = arith.constant 32 : index
        %get3A_215 = tpu.vector_load %arg9[%get3A_213, %get3A_214] {strides = array<i32>} : memref<128x64xbf16, #tpu.memory_space<vmem>>, vector<32xbf16>,
        %unpack3A_216 = tpu.unpack_subelements %get3A_215, 0 {pack_format = #tpu.pack_format<interleaved>} : vector<32xbf16> -> vector<16xf32>
        %unpack3A_217 = tpu.unpack_subelements %get3A_215, 1 {pack_format = #tpu.pack_format<interleaved>} : vector<32xbf16> -> vector<16xf32>
        %swap3A_218 = arith.index_cast %mul3A_202 : i32 to index
        %swap3A_219 = arith.constant 32 : index
        %swap3A_220 = tpu.vector_load %arg11[%swap3A_218, %swap3A_219] {strides = array<i32>} : memref<128x64xf32, #tpu.memory_space<vmem>>, vector<16xf32>,
        tpu.vector_store %arg11[%swap3A_218, %swap3A_219], %unpack3A_216 {strides = array<i32>} : memref<128x64xf32, #tpu.memory_space<vmem>>, vector<16xf32>,
        %swap3A_221 = arith.index_cast %mul3A_202 : i32 to index
        %swap3A_222 = arith.constant 48 : index
        %swap3A_223 = tpu.vector_load %arg11[%swap3A_221, %swap3A_222] {strides = array<i32>} : memref<128x64xf32, #tpu.memory_space<vmem>>, vector<16xf32>,
        tpu.vector_store %arg11[%swap3A_221, %swap3A_222], %unpack3A_217 {strides = array<i32>} : memref<128x64xf32, #tpu.memory_space<vmem>>, vector<16xf32>,
        %get3A_224 = arith.index_cast %add3A_204 : i32 to index
        %get3A_225 = arith.constant 0 : index
        %get3A_226 = tpu.vector_load %arg9[%get3A_224, %get3A_225] {strides = array<i32>} : memref<128x64xbf16, #tpu.memory_space<vmem>>, vector<32xbf16>,
        %unpack3A_227 = tpu.unpack_subelements %get3A_226, 0 {pack_format = #tpu.pack_format<interleaved>} : vector<32xbf16> -> vector<16xf32>
        %unpack3A_228 = tpu.unpack_subelements %get3A_226, 1 {pack_format = #tpu.pack_format<interleaved>} : vector<32xbf16> -> vector<16xf32>
        %swap3A_229 = arith.index_cast %add3A_204 : i32 to index
        %swap3A_230 = arith.constant 0 : index
        %swap3A_231 = tpu.vector_load %arg11[%swap3A_229, %swap3A_230] {strides = array<i32>} : memref<128x64xf32, #tpu.memory_space<vmem>>, vector<16xf32>,
        tpu.vector_store %arg11[%swap3A_229, %swap3A_230], %unpack3A_227 {strides = array<i32>} : memref<128x64xf32, #tpu.memory_space<vmem>>, vector<16xf32>,
        %swap3A_232 = arith.index_cast %add3A_204 : i32 to index
        %swap3A_233 = arith.constant 16 : index
        %swap3A_234 = tpu.vector_load %arg11[%swap3A_232, %swap3A_233] {strides = array<i32>} : memref<128x64xf32, #tpu.memory_space<vmem>>, vector<16xf32>,
        tpu.vector_store %arg11[%swap3A_232, %swap3A_233], %unpack3A_228 {strides = array<i32>} : memref<128x64xf32, #tpu.memory_space<vmem>>, vector<16xf32>,
        %get3A_235 = arith.index_cast %add3A_204 : i32 to index
        %get3A_236 = arith.constant 32 : index
        %get3A_237 = tpu.vector_load %arg9[%get3A_235, %get3A_236] {strides = array<i32>} : memref<128x64xbf16, #tpu.memory_space<vmem>>, vector<32xbf16>,
        %unpack3A_238 = tpu.unpack_subelements %get3A_237, 0 {pack_format = #tpu.pack_format<interleaved>} : vector<32xbf16> -> vector<16xf32>
        %unpack3A_239 = tpu.unpack_subelements %get3A_237, 1 {pack_format = #tpu.pack_format<interleaved>} : vector<32xbf16> -> vector<16xf32>
        %swap3A_240 = arith.index_cast %add3A_204 : i32 to index
        %swap3A_241 = arith.constant 32 : index
        %swap3A_242 = tpu.vector_load %arg11[%swap3A_240, %swap3A_241] {strides = array<i32>} : memref<128x64xf32, #tpu.memory_space<vmem>>, vector<16xf32>,
        tpu.vector_store %arg11[%swap3A_240, %swap3A_241], %unpack3A_238 {strides = array<i32>} : memref<128x64xf32, #tpu.memory_space<vmem>>, vector<16xf32>,
        %swap3A_243 = arith.index_cast %add3A_204 : i32 to index
        %swap3A_244 = arith.constant 48 : index
        %swap3A_245 = tpu.vector_load %arg11[%swap3A_243, %swap3A_244] {strides = array<i32>} : memref<128x64xf32, #tpu.memory_space<vmem>>, vector<16xf32>,
        tpu.vector_store %arg11[%swap3A_243, %swap3A_244], %unpack3A_239 {strides = array<i32>} : memref<128x64xf32, #tpu.memory_space<vmem>>, vector<16xf32>,
        %scan3A_246 = arith.constant 0 : i32
        scf.yield %scan3A_246 : i32
      }
      %scan3A_133 = arith.constant 64 : i32
      %add3A_134 = arith.constant 2 : i32
      %add3A_135 = arith.addi %mul3A_117, %add3A_134 : i32
      %min3A = arith.constant 159 : i32
      %min3A_136 = arith.minsi %add3A_135, %min3A : i32
      %dma_start3A_137 = arith.constant 0 : i32
      %dma_start3A_138 = tpu.memref_slice %arg6[%min3A_136, %dma_start3A_137] : memref<160x128xi32, #tpu.memory_space<vmem>> -> memref<1x128xi32, #tpu.memory_space<vmem>>
      %dma_start3A_139 = tpu.memref_squeeze %dma_start3A_138 : memref<1x128xi32, #tpu.memory_space<vmem>> -> memref<128xi32, #tpu.memory_space<vmem>>
      %dma_start3A_140 = arith.constant 0 : i32
      %dma_start3A_141 = arith.constant 0 : i32
      %dma_start3A_142 = tpu.memref_slice %arg2[%dma_start3A_140, %dma_start3A_141] : memref<20000x64xbf16, #tpu.memory_space<hbm>> -> memref<20000x64xbf16, #tpu.memory_space<hbm>>
      tpu.enqueue_indirect_dma source(%dma_start3A_142 : memref<20000x64xbf16, #tpu.memory_space<hbm>>) target(%arg9 : memref<128x64xbf16, #tpu.memory_space<vmem>>) offsets(%dma_start3A_139 : memref<128xi32, #tpu.memory_space<vmem>>) semaphore(%arg15 : memref<!tpu.dma_semaphore, #tpu.memory_space<semaphore_mem>>)
      %dma_start3A_143 = arith.constant 0 : i32
      %dma_start3A_144 = tpu.memref_slice %arg7[%mul3A_117, %dma_start3A_143] : memref<160x128xi32, #tpu.memory_space<vmem>> -> memref<1x128xi32, #tpu.memory_space<vmem>>
      %dma_start3A_145 = tpu.memref_squeeze %dma_start3A_144 : memref<1x128xi32, #tpu.memory_space<vmem>> -> memref<128xi32, #tpu.memory_space<vmem>>
      %dma_start3A_146 = arith.constant 0 : i32
      %dma_start3A_147 = arith.constant 0 : i32
      %dma_start3A_148 = tpu.memref_slice %arg20[%dma_start3A_146, %dma_start3A_147] : memref<10240x64xf32, #tpu.memory_space<vmem_shared>> -> memref<10240x64xf32, #tpu.memory_space<vmem_shared>>
      tpu.enqueue_indirect_dma source(%arg11 : memref<128x64xf32, #tpu.memory_space<vmem>>) target(%dma_start3A_148 : memref<10240x64xf32, #tpu.memory_space<vmem_shared>>) offsets(%dma_start3A_145 : memref<128xi32, #tpu.memory_space<vmem>>) semaphore(%arg17 : memref<!tpu.dma_semaphore, #tpu.memory_space<semaphore_mem>>) {add = true}
      %dma_wait3A_149 = arith.constant 0 : i32
      %dma_wait3A_150 = arith.constant 0 : i32
      %dma_wait3A_151 = tpu.memref_slice %arg14[%dma_wait3A_149, %dma_wait3A_150] : memref<640x16xf32, #tpu.memory_space<vmem>> -> memref<128x16xf32, #tpu.memory_space<vmem>>
      %dma_wait3A_152 = arith.constant 0 : i32
      %dma_wait3A_153 = arith.constant 0 : i32
      %dma_wait3A_154 = tpu.memref_slice %arg21[%dma_wait3A_152, %dma_wait3A_153] : memref<10240x16xf32, #tpu.memory_space<vmem_shared>> -> memref<10240x16xf32, #tpu.memory_space<vmem_shared>>
      tpu.wait_indirect_dma semaphore(%arg19 : memref<!tpu.dma_semaphore, #tpu.memory_space<semaphore_mem>>) src(%dma_wait3A_151 : memref<128x16xf32, #tpu.memory_space<vmem>>) dst(%dma_wait3A_154 : memref<10240x16xf32, #tpu.memory_space<vmem_shared>>)
      %add3A_155 = arith.addi %mul3A_49, %scan3A_114 : i32
      %dma_start3A_156 = arith.constant 0 : i32
      %dma_start3A_157 = tpu.memref_slice %arg7[%add3A_155, %dma_start3A_156] : memref<160x128xi32, #tpu.memory_space<vmem>> -> memref<1x128xi32, #tpu.memory_space<vmem>>
      %dma_start3A_158 = tpu.memref_squeeze %dma_start3A_157 : memref<1x128xi32, #tpu.memory_space<vmem>> -> memref<128xi32, #tpu.memory_space<vmem>>
      %dma_start3A_159 = arith.constant 0 : i32
      %dma_start3A_160 = arith.constant 0 : i32
      %dma_start3A_161 = tpu.memref_slice %arg21[%dma_start3A_159, %dma_start3A_160] : memref<10240x16xf32, #tpu.memory_space<vmem_shared>> -> memref<10240x16xf32, #tpu.memory_space<vmem_shared>>
      tpu.enqueue_indirect_dma source(%arg13 : memref<128x16xf32, #tpu.memory_space<vmem>>) target(%dma_start3A_161 : memref<10240x16xf32, #tpu.memory_space<vmem_shared>>) offsets(%dma_start3A_158 : memref<128xi32, #tpu.memory_space<vmem>>) semaphore(%arg19 : memref<!tpu.dma_semaphore, #tpu.memory_space<semaphore_mem>>) {add = true}
      %add3A_162 = arith.constant 1 : i32
      %add3A_163 = arith.addi %mul3A_117, %add3A_162 : i32
      %dma_wait3A_164 = arith.constant 0 : i32
      %dma_wait3A_165 = tpu.memref_slice %arg6[%add3A_163, %dma_wait3A_164] : memref<160x128xi32, #tpu.memory_space<vmem>> -> memref<1x128xi32, #tpu.memory_space<vmem>>
      %dma_wait3A_166 = tpu.memref_squeeze %dma_wait3A_165 : memref<1x128xi32, #tpu.memory_space<vmem>> -> memref<128xi32, #tpu.memory_space<vmem>>
      %dma_wait3A_167 = arith.constant 0 : i32
      %dma_wait3A_168 = arith.constant 0 : i32
      %dma_wait3A_169 = tpu.memref_slice %arg2[%dma_wait3A_167, %dma_wait3A_168] : memref<20000x64xbf16, #tpu.memory_space<hbm>> -> memref<20000x64xbf16, #tpu.memory_space<hbm>>
      tpu.wait_indirect_dma semaphore(%arg16 : memref<!tpu.dma_semaphore, #tpu.memory_space<semaphore_mem>>) src(%dma_wait3A_169 : memref<20000x64xbf16, #tpu.memory_space<hbm>>) dst(%arg10 : memref<128x64xbf16, #tpu.memory_space<vmem>>)
      %dma_wait3A_170 = arith.constant 0 : i32
      %dma_wait3A_171 = arith.constant 0 : i32
      %dma_wait3A_172 = tpu.memref_slice %arg20[%dma_wait3A_170, %dma_wait3A_171] : memref<10240x64xf32, #tpu.memory_space<vmem_shared>> -> memref<10240x64xf32, #tpu.memory_space<vmem_shared>>
      tpu.wait_indirect_dma semaphore(%arg18 : memref<!tpu.dma_semaphore, #tpu.memory_space<semaphore_mem>>) src(%arg12 : memref<128x64xf32, #tpu.memory_space<vmem>>) dst(%dma_wait3A_172 : memref<10240x64xf32, #tpu.memory_space<vmem_shared>>)
      %scan3A_173 = arith.constant 0 : i32
      %scan3A_174 = arith.constant 0 : i32
      %scan3A_175 = arith.constant 64 : i32
      %scan3A_176 = arith.addi %scan3A_174, %scan3A_175 : i32
      %scan3A_177 = arith.constant 1 : i32
      %scan3A_178 = scf.for %scan3A_199 = %scan3A_174 to %scan3A_176 step %scan3A_177 iter_args(%scan3A_200 = %scan3A_173) -> (i32)  : i32 {
        %mul3A_201 = arith.constant 2 : i32
        %mul3A_202 = arith.muli %scan3A_199, %mul3A_201 : i32
        %add3A_203 = arith.constant 1 : i32
        %add3A_204 = arith.addi %mul3A_202, %add3A_203 : i32
        %get3A = arith.index_cast %mul3A_202 : i32 to index
        %get3A_205 = arith.constant 0 : index
        %get3A_206 = tpu.vector_load %arg10[%get3A, %get3A_205] {strides = array<i32>} : memref<128x64xbf16, #tpu.memory_space<vmem>>, vector<32xbf16>,
        %unpack3A = tpu.unpack_subelements %get3A_206, 0 {pack_format = #tpu.pack_format<interleaved>} : vector<32xbf16> -> vector<16xf32>
        %unpack3A_207 = tpu.unpack_subelements %get3A_206, 1 {pack_format = #tpu.pack_format<interleaved>} : vector<32xbf16> -> vector<16xf32>
        %swap3A = arith.index_cast %mul3A_202 : i32 to index
        %swap3A_208 = arith.constant 0 : index
        %swap3A_209 = tpu.vector_load %arg12[%swap3A, %swap3A_208] {strides = array<i32>} : memref<128x64xf32, #tpu.memory_space<vmem>>, vector<16xf32>,
        tpu.vector_store %arg12[%swap3A, %swap3A_208], %unpack3A {strides = array<i32>} : memref<128x64xf32, #tpu.memory_space<vmem>>, vector<16xf32>,
        %swap3A_210 = arith.index_cast %mul3A_202 : i32 to index
        %swap3A_211 = arith.constant 16 : index
        %swap3A_212 = tpu.vector_load %arg12[%swap3A_210, %swap3A_211] {strides = array<i32>} : memref<128x64xf32, #tpu.memory_space<vmem>>, vector<16xf32>,
        tpu.vector_store %arg12[%swap3A_210, %swap3A_211], %unpack3A_207 {strides = array<i32>} : memref<128x64xf32, #tpu.memory_space<vmem>>, vector<16xf32>,
        %get3A_213 = arith.index_cast %mul3A_202 : i32 to index
        %get3A_214 = arith.constant 32 : index
        %get3A_215 = tpu.vector_load %arg10[%get3A_213, %get3A_214] {strides = array<i32>} : memref<128x64xbf16, #tpu.memory_space<vmem>>, vector<32xbf16>,
        %unpack3A_216 = tpu.unpack_subelements %get3A_215, 0 {pack_format = #tpu.pack_format<interleaved>} : vector<32xbf16> -> vector<16xf32>
        %unpack3A_217 = tpu.unpack_subelements %get3A_215, 1 {pack_format = #tpu.pack_format<interleaved>} : vector<32xbf16> -> vector<16xf32>
        %swap3A_218 = arith.index_cast %mul3A_202 : i32 to index
        %swap3A_219 = arith.constant 32 : index
        %swap3A_220 = tpu.vector_load %arg12[%swap3A_218, %swap3A_219] {strides = array<i32>} : memref<128x64xf32, #tpu.memory_space<vmem>>, vector<16xf32>,
        tpu.vector_store %arg12[%swap3A_218, %swap3A_219], %unpack3A_216 {strides = array<i32>} : memref<128x64xf32, #tpu.memory_space<vmem>>, vector<16xf32>,
        %swap3A_221 = arith.index_cast %mul3A_202 : i32 to index
        %swap3A_222 = arith.constant 48 : index
        %swap3A_223 = tpu.vector_load %arg12[%swap3A_221, %swap3A_222] {strides = array<i32>} : memref<128x64xf32, #tpu.memory_space<vmem>>, vector<16xf32>,
        tpu.vector_store %arg12[%swap3A_221, %swap3A_222], %unpack3A_217 {strides = array<i32>} : memref<128x64xf32, #tpu.memory_space<vmem>>, vector<16xf32>,
        %get3A_224 = arith.index_cast %add3A_204 : i32 to index
        %get3A_225 = arith.constant 0 : index
        %get3A_226 = tpu.vector_load %arg10[%get3A_224, %get3A_225] {strides = array<i32>} : memref<128x64xbf16, #tpu.memory_space<vmem>>, vector<32xbf16>,
        %unpack3A_227 = tpu.unpack_subelements %get3A_226, 0 {pack_format = #tpu.pack_format<interleaved>} : vector<32xbf16> -> vector<16xf32>
        %unpack3A_228 = tpu.unpack_subelements %get3A_226, 1 {pack_format = #tpu.pack_format<interleaved>} : vector<32xbf16> -> vector<16xf32>
        %swap3A_229 = arith.index_cast %add3A_204 : i32 to index
        %swap3A_230 = arith.constant 0 : index
        %swap3A_231 = tpu.vector_load %arg12[%swap3A_229, %swap3A_230] {strides = array<i32>} : memref<128x64xf32, #tpu.memory_space<vmem>>, vector<16xf32>,
        tpu.vector_store %arg12[%swap3A_229, %swap3A_230], %unpack3A_227 {strides = array<i32>} : memref<128x64xf32, #tpu.memory_space<vmem>>, vector<16xf32>,
        %swap3A_232 = arith.index_cast %add3A_204 : i32 to index
        %swap3A_233 = arith.constant 16 : index
        %swap3A_234 = tpu.vector_load %arg12[%swap3A_232, %swap3A_233] {strides = array<i32>} : memref<128x64xf32, #tpu.memory_space<vmem>>, vector<16xf32>,
        tpu.vector_store %arg12[%swap3A_232, %swap3A_233], %unpack3A_228 {strides = array<i32>} : memref<128x64xf32, #tpu.memory_space<vmem>>, vector<16xf32>,
        %get3A_235 = arith.index_cast %add3A_204 : i32 to index
        %get3A_236 = arith.constant 32 : index
        %get3A_237 = tpu.vector_load %arg10[%get3A_235, %get3A_236] {strides = array<i32>} : memref<128x64xbf16, #tpu.memory_space<vmem>>, vector<32xbf16>,
        %unpack3A_238 = tpu.unpack_subelements %get3A_237, 0 {pack_format = #tpu.pack_format<interleaved>} : vector<32xbf16> -> vector<16xf32>
        %unpack3A_239 = tpu.unpack_subelements %get3A_237, 1 {pack_format = #tpu.pack_format<interleaved>} : vector<32xbf16> -> vector<16xf32>
        %swap3A_240 = arith.index_cast %add3A_204 : i32 to index
        %swap3A_241 = arith.constant 32 : index
        %swap3A_242 = tpu.vector_load %arg12[%swap3A_240, %swap3A_241] {strides = array<i32>} : memref<128x64xf32, #tpu.memory_space<vmem>>, vector<16xf32>,
        tpu.vector_store %arg12[%swap3A_240, %swap3A_241], %unpack3A_238 {strides = array<i32>} : memref<128x64xf32, #tpu.memory_space<vmem>>, vector<16xf32>,
        %swap3A_243 = arith.index_cast %add3A_204 : i32 to index
        %swap3A_244 = arith.constant 48 : index
        %swap3A_245 = tpu.vector_load %arg12[%swap3A_243, %swap3A_244] {strides = array<i32>} : memref<128x64xf32, #tpu.memory_space<vmem>>, vector<16xf32>,
        tpu.vector_store %arg12[%swap3A_243, %swap3A_244], %unpack3A_239 {strides = array<i32>} : memref<128x64xf32, #tpu.memory_space<vmem>>, vector<16xf32>,
        %scan3A_246 = arith.constant 0 : i32
        scf.yield %scan3A_246 : i32
      }
      %scan3A_179 = arith.constant 64 : i32
      %add3A_180 = arith.constant 3 : i32
      %add3A_181 = arith.addi %mul3A_117, %add3A_180 : i32
      %min3A_182 = arith.constant 159 : i32
      %min3A_183 = arith.minsi %add3A_181, %min3A_182 : i32
      %dma_start3A_184 = arith.constant 0 : i32
      %dma_start3A_185 = tpu.memref_slice %arg6[%min3A_183, %dma_start3A_184] : memref<160x128xi32, #tpu.memory_space<vmem>> -> memref<1x128xi32, #tpu.memory_space<vmem>>
      %dma_start3A_186 = tpu.memref_squeeze %dma_start3A_185 : memref<1x128xi32, #tpu.memory_space<vmem>> -> memref<128xi32, #tpu.memory_space<vmem>>
      %dma_start3A_187 = arith.constant 0 : i32
      %dma_start3A_188 = arith.constant 0 : i32
      %dma_start3A_189 = tpu.memref_slice %arg2[%dma_start3A_187, %dma_start3A_188] : memref<20000x64xbf16, #tpu.memory_space<hbm>> -> memref<20000x64xbf16, #tpu.memory_space<hbm>>
      tpu.enqueue_indirect_dma source(%dma_start3A_189 : memref<20000x64xbf16, #tpu.memory_space<hbm>>) target(%arg10 : memref<128x64xbf16, #tpu.memory_space<vmem>>) offsets(%dma_start3A_186 : memref<128xi32, #tpu.memory_space<vmem>>) semaphore(%arg16 : memref<!tpu.dma_semaphore, #tpu.memory_space<semaphore_mem>>)
      %add3A_190 = arith.constant 1 : i32
      %add3A_191 = arith.addi %mul3A_117, %add3A_190 : i32
      %dma_start3A_192 = arith.constant 0 : i32
      %dma_start3A_193 = tpu.memref_slice %arg7[%add3A_191, %dma_start3A_192] : memref<160x128xi32, #tpu.memory_space<vmem>> -> memref<1x128xi32, #tpu.memory_space<vmem>>
      %dma_start3A_194 = tpu.memref_squeeze %dma_start3A_193 : memref<1x128xi32, #tpu.memory_space<vmem>> -> memref<128xi32, #tpu.memory_space<vmem>>
      %dma_start3A_195 = arith.constant 0 : i32
      %dma_start3A_196 = arith.constant 0 : i32
      %dma_start3A_197 = tpu.memref_slice %arg20[%dma_start3A_195, %dma_start3A_196] : memref<10240x64xf32, #tpu.memory_space<vmem_shared>> -> memref<10240x64xf32, #tpu.memory_space<vmem_shared>>
      tpu.enqueue_indirect_dma source(%arg12 : memref<128x64xf32, #tpu.memory_space<vmem>>) target(%dma_start3A_197 : memref<10240x64xf32, #tpu.memory_space<vmem_shared>>) offsets(%dma_start3A_194 : memref<128xi32, #tpu.memory_space<vmem>>) semaphore(%arg18 : memref<!tpu.dma_semaphore, #tpu.memory_space<semaphore_mem>>) {add = true}
      %scan3A_198 = arith.constant 0 : i32
      scf.yield %scan3A_198 : i32
    }
    %scan3A_81 = arith.constant 80 : i32
    %dma_wait3A = arith.constant 0 : i32
    %dma_wait3A_82 = arith.constant 0 : i32
    %dma_wait3A_83 = tpu.memref_slice %arg6[%dma_wait3A, %dma_wait3A_82] : memref<160x128xi32, #tpu.memory_space<vmem>> -> memref<1x128xi32, #tpu.memory_space<vmem>>
    %dma_wait3A_84 = tpu.memref_squeeze %dma_wait3A_83 : memref<1x128xi32, #tpu.memory_space<vmem>> -> memref<128xi32, #tpu.memory_space<vmem>>
    %dma_wait3A_85 = arith.constant 0 : i32
    %dma_wait3A_86 = arith.constant 0 : i32
    %dma_wait3A_87 = tpu.memref_slice %arg2[%dma_wait3A_85, %dma_wait3A_86] : memref<20000x64xbf16, #tpu.memory_space<hbm>> -> memref<20000x64xbf16, #tpu.memory_space<hbm>>
    tpu.wait_indirect_dma semaphore(%arg15 : memref<!tpu.dma_semaphore, #tpu.memory_space<semaphore_mem>>) src(%dma_wait3A_87 : memref<20000x64xbf16, #tpu.memory_space<hbm>>) dst(%arg9 : memref<128x64xbf16, #tpu.memory_space<vmem>>)
    %dma_wait3A_88 = arith.constant 0 : i32
    %dma_wait3A_89 = arith.constant 0 : i32
    %dma_wait3A_90 = tpu.memref_slice %arg6[%dma_wait3A_88, %dma_wait3A_89] : memref<160x128xi32, #tpu.memory_space<vmem>> -> memref<1x128xi32, #tpu.memory_space<vmem>>
    %dma_wait3A_91 = tpu.memref_squeeze %dma_wait3A_90 : memref<1x128xi32, #tpu.memory_space<vmem>> -> memref<128xi32, #tpu.memory_space<vmem>>
    %dma_wait3A_92 = arith.constant 0 : i32
    %dma_wait3A_93 = arith.constant 0 : i32
    %dma_wait3A_94 = tpu.memref_slice %arg2[%dma_wait3A_92, %dma_wait3A_93] : memref<20000x64xbf16, #tpu.memory_space<hbm>> -> memref<20000x64xbf16, #tpu.memory_space<hbm>>
    tpu.wait_indirect_dma semaphore(%arg16 : memref<!tpu.dma_semaphore, #tpu.memory_space<semaphore_mem>>) src(%dma_wait3A_94 : memref<20000x64xbf16, #tpu.memory_space<hbm>>) dst(%arg10 : memref<128x64xbf16, #tpu.memory_space<vmem>>)
    %dma_wait3A_95 = arith.constant 0 : i32
    %dma_wait3A_96 = arith.constant 0 : i32
    %dma_wait3A_97 = tpu.memref_slice %arg20[%dma_wait3A_95, %dma_wait3A_96] : memref<10240x64xf32, #tpu.memory_space<vmem_shared>> -> memref<10240x64xf32, #tpu.memory_space<vmem_shared>>
    tpu.wait_indirect_dma semaphore(%arg17 : memref<!tpu.dma_semaphore, #tpu.memory_space<semaphore_mem>>) src(%arg11 : memref<128x64xf32, #tpu.memory_space<vmem>>) dst(%dma_wait3A_97 : memref<10240x64xf32, #tpu.memory_space<vmem_shared>>)
    %dma_wait3A_98 = arith.constant 0 : i32
    %dma_wait3A_99 = arith.constant 0 : i32
    %dma_wait3A_100 = tpu.memref_slice %arg20[%dma_wait3A_98, %dma_wait3A_99] : memref<10240x64xf32, #tpu.memory_space<vmem_shared>> -> memref<10240x64xf32, #tpu.memory_space<vmem_shared>>
    tpu.wait_indirect_dma semaphore(%arg18 : memref<!tpu.dma_semaphore, #tpu.memory_space<semaphore_mem>>) src(%arg12 : memref<128x64xf32, #tpu.memory_space<vmem>>) dst(%dma_wait3A_100 : memref<10240x64xf32, #tpu.memory_space<vmem_shared>>)
    %dma_wait3A_101 = arith.constant 0 : i32
    %dma_wait3A_102 = arith.constant 0 : i32
    %dma_wait3A_103 = tpu.memref_slice %arg14[%dma_wait3A_101, %dma_wait3A_102] : memref<640x16xf32, #tpu.memory_space<vmem>> -> memref<128x16xf32, #tpu.memory_space<vmem>>
    %dma_wait3A_104 = arith.constant 0 : i32
    %dma_wait3A_105 = arith.constant 0 : i32
    %dma_wait3A_106 = tpu.memref_slice %arg21[%dma_wait3A_104, %dma_wait3A_105] : memref<10240x16xf32, #tpu.memory_space<vmem_shared>> -> memref<10240x16xf32, #tpu.memory_space<vmem_shared>>
    tpu.wait_indirect_dma semaphore(%arg19 : memref<!tpu.dma_semaphore, #tpu.memory_space<semaphore_mem>>) src(%dma_wait3A_103 : memref<128x16xf32, #tpu.memory_space<vmem>>) dst(%dma_wait3A_106 : memref<10240x16xf32, #tpu.memory_space<vmem_shared>>)
    %barrier3A_107 = arith.constant 0 : index
    tpu.barrier barrier_id(%barrier3A_107)
    %mul3A_108 = arith.constant 10240 : i32
    %mul3A_109 = arith.muli %arg0, %mul3A_108 : i32
    %add3A_110 = arith.addi %mul3A_109, %mul3A_37 : i32
    "tpu.region"() ({
      %run_scoped3A = tpu.sem_alloc : memref<!tpu.dma_semaphore, #tpu.memory_space<semaphore_mem>>
      %dma_start3A_114 = arith.constant 0 : i32
      %dma_start3A_115 = tpu.memref_slice %arg4[%add3A_110, %dma_start3A_114] : memref<20480x64xf32, #tpu.memory_space<hbm>> -> memref<640x64xf32, #tpu.memory_space<hbm>>
      %dma_start3A_116 = arith.constant 0 : i32
      %dma_start3A_117 = tpu.memref_slice %arg20[%mul3A_37, %dma_start3A_116] : memref<10240x64xf32, #tpu.memory_space<vmem_shared>> -> memref<640x64xf32, #tpu.memory_space<vmem_shared>>
      tpu.enqueue_dma source(%dma_start3A_117 : memref<640x64xf32, #tpu.memory_space<vmem_shared>>) target(%dma_start3A_115 : memref<640x64xf32, #tpu.memory_space<hbm>>) target_semaphore(%run_scoped3A : memref<!tpu.dma_semaphore, #tpu.memory_space<semaphore_mem>>)
      %dma_wait3A_118 = arith.constant 0 : i32
      %dma_wait3A_119 = tpu.memref_slice %arg4[%add3A_110, %dma_wait3A_118] : memref<20480x64xf32, #tpu.memory_space<hbm>> -> memref<640x64xf32, #tpu.memory_space<hbm>>
      %dma_wait3A_120 = arith.constant 0 : i32
      %dma_wait3A_121 = tpu.memref_slice %arg20[%mul3A_37, %dma_wait3A_120] : memref<10240x64xf32, #tpu.memory_space<vmem_shared>> -> memref<640x64xf32, #tpu.memory_space<vmem_shared>>
      tpu.wait_dma2 semaphore(%run_scoped3A : memref<!tpu.dma_semaphore, #tpu.memory_space<semaphore_mem>>) src(%dma_wait3A_121 : memref<640x64xf32, #tpu.memory_space<vmem_shared>>) dst(%dma_wait3A_119 : memref<640x64xf32, #tpu.memory_space<hbm>>)
      tpu.yield
    }) : () -> ()
    %mul3A_111 = arith.constant 10240 : i32
    %mul3A_112 = arith.muli %arg0, %mul3A_111 : i32
    %add3A_113 = arith.addi %mul3A_112, %mul3A_37 : i32
    "tpu.region"() ({
      %run_scoped3A = tpu.sem_alloc : memref<!tpu.dma_semaphore, #tpu.memory_space<semaphore_mem>>
      %dma_start3A_114 = arith.constant 0 : i32
      %dma_start3A_115 = tpu.memref_slice %arg5[%add3A_113, %dma_start3A_114] : memref<20480x16xf32, #tpu.memory_space<hbm>> -> memref<640x16xf32, #tpu.memory_space<hbm>>
      %dma_start3A_116 = arith.constant 0 : i32
      %dma_start3A_117 = tpu.memref_slice %arg21[%mul3A_37, %dma_start3A_116] : memref<10240x16xf32, #tpu.memory_space<vmem_shared>> -> memref<640x16xf32, #tpu.memory_space<vmem_shared>>
      tpu.enqueue_dma source(%dma_start3A_117 : memref<640x16xf32, #tpu.memory_space<vmem_shared>>) target(%dma_start3A_115 : memref<640x16xf32, #tpu.memory_space<hbm>>) target_semaphore(%run_scoped3A : memref<!tpu.dma_semaphore, #tpu.memory_space<semaphore_mem>>)
      %dma_wait3A_118 = arith.constant 0 : i32
      %dma_wait3A_119 = tpu.memref_slice %arg5[%add3A_113, %dma_wait3A_118] : memref<20480x16xf32, #tpu.memory_space<hbm>> -> memref<640x16xf32, #tpu.memory_space<hbm>>
      %dma_wait3A_120 = arith.constant 0 : i32
      %dma_wait3A_121 = tpu.memref_slice %arg21[%mul3A_37, %dma_wait3A_120] : memref<10240x16xf32, #tpu.memory_space<vmem_shared>> -> memref<640x16xf32, #tpu.memory_space<vmem_shared>>
      tpu.wait_dma2 semaphore(%run_scoped3A : memref<!tpu.dma_semaphore, #tpu.memory_space<semaphore_mem>>) src(%dma_wait3A_121 : memref<640x16xf32, #tpu.memory_space<vmem_shared>>) dst(%dma_wait3A_119 : memref<640x16xf32, #tpu.memory_space<hbm>>)
      tpu.yield
    }) : () -> ()
    return
  }
}

module attributes {stable_mosaic.version = 14 : i64} {
  func.func @_tc_combine(%arg0: i32, %arg1: memref<2000x128xf32, #tpu.memory_space<vmem>>, %arg2: memref<1x2000x64xf32, #tpu.memory_space<vmem>>, %arg3: memref<1x2000x64xf32, #tpu.memory_space<vmem>>, %arg4: memref<1x2000x16xf32, #tpu.memory_space<vmem>>, %arg5: memref<1x2000x16xf32, #tpu.memory_space<vmem>>, %arg6: memref<128x128xf32, #tpu.memory_space<vmem>>, %arg7: memref<128x128xf32, #tpu.memory_space<vmem>>, %arg8: memref<2000x256xf32, #tpu.memory_space<vmem>>) attributes {dimension_semantics = [#tpu.dimension_semantics<arbitrary>], iteration_bounds = array<i64: 5>, scalar_prefetch = 0 : i64, scratch_operands = 0 : i64, tpu.core_type = #tpu.core_type<tc>, window_params = [{transform_indices = @transform_0, window_bounds = array<i64: 2000, 128>}, {transform_indices = @transform_1, window_bounds = array<i64: 1, 2000, 64>}, {transform_indices = @transform_2, window_bounds = array<i64: 1, 2000, 64>}, {transform_indices = @transform_3, window_bounds = array<i64: 1, 2000, 16>}, {transform_indices = @transform_4, window_bounds = array<i64: 1, 2000, 16>}, {pipeline_mode = #tpu.pipeline_mode<synchronous>, transform_indices = @transform_5, window_bounds = array<i64: 128, 128>}, {pipeline_mode = #tpu.pipeline_mode<synchronous>, transform_indices = @transform_6, window_bounds = array<i64: 128, 128>}, {transform_indices = @transform_7, window_bounds = array<i64: 2000, 256>}]} {
    %get3A = arith.constant 0 : index
    %get3A_0 = arith.constant 0 : index
    %get3A_1 = arith.constant 0 : index
    %get3A_2 = vector.load %arg2[%get3A, %get3A_0, %get3A_1] : memref<1x2000x64xf32, #tpu.memory_space<vmem>>, vector<1x2000x64xf32>
    %get3A_3 = vector.shape_cast %get3A_2 : vector<1x2000x64xf32> to vector<2000x64xf32>
    %get3A_4 = arith.constant 0 : index
    %get3A_5 = arith.constant 0 : index
    %get3A_6 = arith.constant 0 : index
    %get3A_7 = vector.load %arg3[%get3A_4, %get3A_5, %get3A_6] : memref<1x2000x64xf32, #tpu.memory_space<vmem>>, vector<1x2000x64xf32>
    %get3A_8 = vector.shape_cast %get3A_7 : vector<1x2000x64xf32> to vector<2000x64xf32>
    %concatenate3A = tpu.concatenate %get3A_3, %get3A_8 in 1 : vector<2000x64xf32>, vector<2000x64xf32> -> vector<2000x128xf32>
    %get3A_9 = arith.constant 0 : index
    %get3A_10 = arith.constant 0 : index
    %get3A_11 = arith.constant 0 : index
    %get3A_12 = vector.load %arg4[%get3A_9, %get3A_10, %get3A_11] : memref<1x2000x16xf32, #tpu.memory_space<vmem>>, vector<1x2000x1xf32>
    %get3A_13 = vector.shape_cast %get3A_12 : vector<1x2000x1xf32> to vector<2000xf32>
    %get3A_14 = arith.constant 0 : index
    %get3A_15 = arith.constant 0 : index
    %get3A_16 = arith.constant 0 : index
    %get3A_17 = vector.load %arg5[%get3A_14, %get3A_15, %get3A_16] : memref<1x2000x16xf32, #tpu.memory_space<vmem>>, vector<1x2000x1xf32>
    %get3A_18 = vector.shape_cast %get3A_17 : vector<1x2000x1xf32> to vector<2000xf32>
    %add3A = arith.addf %get3A_13, %get3A_18 : vector<2000xf32>
    %max3A = arith.constant 1.000000e+00 : f32
    %max3A_19 = vector.broadcast %max3A : f32 to vector<2000xf32>
    %max3A_20 = arith.maximumf %add3A, %max3A_19 : vector<2000xf32>
    %broadcast_in_dim3A = vector.shape_cast %max3A_20 : vector<2000xf32> to vector<2000x1xf32>
    %div3A = vector.broadcast %broadcast_in_dim3A : vector<2000x1xf32> to vector<2000x128xf32>
    %div3A_21 = arith.divf %concatenate3A, %div3A : vector<2000x128xf32>
    %get3A_22 = arith.constant 0 : index
    %get3A_23 = arith.constant 0 : index
    %get3A_24 = vector.load %arg1[%get3A_22, %get3A_23] : memref<2000x128xf32, #tpu.memory_space<vmem>>, vector<2000x128xf32>
    %get3A_25 = arith.constant 0 : index
    %get3A_26 = arith.constant 0 : index
    %get3A_27 = vector.load %arg6[%get3A_25, %get3A_26] : memref<128x128xf32, #tpu.memory_space<vmem>>, vector<128x128xf32>
    %dot_general3A = arith.constant dense<0.000000e+00> : vector<2000x128xf32>
    %dot_general3A_28 = tpu.matmul %get3A_24, %get3A_27, %dot_general3A {dimension_numbers = #tpu.dot_dimension_numbers<[1], [0], [0], [1], [0, 0, 1, 1], [], []>, transpose_lhs_hint = false} : vector<2000x128xf32>, vector<128x128xf32>, vector<2000x128xf32> -> vector<2000x128xf32>
    %get3A_29 = arith.constant 0 : index
    %get3A_30 = arith.constant 0 : index
    %get3A_31 = vector.load %arg7[%get3A_29, %get3A_30] : memref<128x128xf32, #tpu.memory_space<vmem>>, vector<128x128xf32>
    %dot_general3A_32 = arith.constant dense<0.000000e+00> : vector<2000x128xf32>
    %dot_general3A_33 = tpu.matmul %div3A_21, %get3A_31, %dot_general3A_32 {dimension_numbers = #tpu.dot_dimension_numbers<[1], [0], [0], [1], [0, 0, 1, 1], [], []>, transpose_lhs_hint = false} : vector<2000x128xf32>, vector<128x128xf32>, vector<2000x128xf32> -> vector<2000x128xf32>
    %concatenate3A_34 = tpu.concatenate %dot_general3A_28, %dot_general3A_33 in 1 : vector<2000x128xf32>, vector<2000x128xf32> -> vector<2000x256xf32>
    %max3A_35 = arith.constant 0.000000e+00 : f32
    %max3A_36 = vector.broadcast %max3A_35 : f32 to vector<2000x256xf32>
    %max3A_37 = arith.maximumf %concatenate3A_34, %max3A_36 : vector<2000x256xf32>
    %swap3A = arith.constant 0 : index
    %swap3A_38 = arith.constant 0 : index
    %swap3A_39 = vector.load %arg8[%swap3A, %swap3A_38] : memref<2000x256xf32, #tpu.memory_space<vmem>>, vector<2000x256xf32>
    tpu.vector_store %arg8[%swap3A, %swap3A_38], %max3A_37 {strides = array<i32>} : memref<2000x256xf32, #tpu.memory_space<vmem>>, vector<2000x256xf32>,
    return
  }
  func.func @transform_0(%arg0: i32) -> (i32, i32) {
    %c0_i32 = arith.constant 0 : i32
    %c0_i32_0 = arith.constant 0 : i32
    return %arg0, %c0_i32 : i32, i32
  }
  func.func @transform_1(%arg0: i32) -> (i32, i32, i32) {
    %c0_i32 = arith.constant 0 : i32
    %c0_i32_0 = arith.constant 0 : i32
    %c0_i32_1 = arith.constant 0 : i32
    return %c0_i32, %arg0, %c0_i32_0 : i32, i32, i32
  }
  func.func @transform_2(%arg0: i32) -> (i32, i32, i32) {
    %c1_i32 = arith.constant 1 : i32
    %c0_i32 = arith.constant 0 : i32
    %c0_i32_0 = arith.constant 0 : i32
    return %c1_i32, %arg0, %c0_i32 : i32, i32, i32
  }
  func.func @transform_3(%arg0: i32) -> (i32, i32, i32) {
    %c0_i32 = arith.constant 0 : i32
    %c0_i32_0 = arith.constant 0 : i32
    %c0_i32_1 = arith.constant 0 : i32
    return %c0_i32, %arg0, %c0_i32_0 : i32, i32, i32
  }
  func.func @transform_4(%arg0: i32) -> (i32, i32, i32) {
    %c1_i32 = arith.constant 1 : i32
    %c0_i32 = arith.constant 0 : i32
    %c0_i32_0 = arith.constant 0 : i32
    return %c1_i32, %arg0, %c0_i32 : i32, i32, i32
  }
  func.func @transform_5(%arg0: i32) -> (i32, i32) {
    %c0_i32 = arith.constant 0 : i32
    %c0_i32_0 = arith.constant 0 : i32
    %c0_i32_1 = arith.constant 0 : i32
    return %c0_i32, %c0_i32_0 : i32, i32
  }
  func.func @transform_6(%arg0: i32) -> (i32, i32) {
    %c0_i32 = arith.constant 0 : i32
    %c0_i32_0 = arith.constant 0 : i32
    %c0_i32_1 = arith.constant 0 : i32
    return %c0_i32, %c0_i32_0 : i32, i32
  }
  func.func @transform_7(%arg0: i32) -> (i32, i32) {
    %c0_i32 = arith.constant 0 : i32
    %c0_i32_0 = arith.constant 0 : i32
    return %arg0, %c0_i32 : i32, i32
  }
}

</mosaic_0001>

<sc_bundles>
// kernel: kernel.4.cloned.1.call-start
scs
__scs_entry_jumppad:
0x0: {  	(pc) =	sbr.rel $0x88, $3  }
0x1: {  	(tag) =	ssettag $0x0;
	lr =	simm.s32 $0x1  }
0x2: {  	[smem:$0x3F9D] =	sst lr;
	_ =	strace $0xD0000000  }
0x3: {  	_ = 	snop  }
0x4: {  	_ = 	snop  }
0x5: {  	_ = 	snop  }
0x6: {  	_ = 	snop  }
0x7: {  	_ = 	snop  }
__scs_overlays_trampoline_lowered:
0x8: {  	[smem:$0x3FAC] =	sst s0  }
0x9: {  	[smem:$0x3FAD] =	sst s1  }
0xa: {  	[smem:$0x3FAE] =	sst s2  }
0xb: {  	[smem:$0x3FAF] =	sst s3  }
0xc: {  	[smem:$0x3FB0] =	sst s4  }
0xd: {  	[smem:$0x3FB1] =	sst s5  }
0xe: {  	[smem:$0x3FB2] =	sst s6  }
0xf: {  	[smem:$0x3FB3] =	sst s7  }
0x10: {  	[smem:$0x3FB4] =	sst s8  }
0x11: {  	[smem:$0x3FB5] =	sst s9;
	s0 =	simm.s32 @!p0 $0x0  }
0x12: {  	s1 =	sld [smem:$0x3F9B];
	s0 =	simm.s32 @p0 $0x1  }
0x13: {  	[smem:$0x3FB6] =	sst s0;
	s0 =	simm.s32 @!p1 $0x0  }
0x14: {  	s2 =	sld [smem:$0x3F9A];
	s0 =	simm.s32 @p1 $0x1  }
0x15: {  	[smem:$0x3FB7] =	sst s0;
	s0 =	simm.s32 @!p2 $0x0  }
0x16: {  	s3 =	sld [smem:$0x3FDB];
	s0 =	simm.s32 @p2 $0x1  }
0x17: {  	s4 =	simm.s32 $0x1BF5;
	[smem:$0x3FB9] =	sst s0  }
0x18: {  	s0 =	sld [smem:$0x3F9C];
	_ =	swait.ge [sflag:s4], $0x0  }
0x19: {  	s7 =	sld [smem:$0x3F9D]  }
0x1a: {  	s8 =	sadd.s32 $0xFFFFE003, lr  }
0x1b: {  	s9 =	sadd.s32 $0xFFFFFEF7, lr;
	s5 =	simm.s32 $0xFFFFFFFF;
	p2 =	slt.u32 s8, $0xFFFFF086  }
0x1c: {  	p1 =	slt.u32 s9, $0xF7A;
	s5 =	simm.s32 @!p2 $0x0  }
0x1d: {  	s5 =	simm.s32 @p1 $0x1;
	p0 =	seq.s32 s7, s2  }
0x1e: {  	s7 =	smul.u32 @!p0 $0xF7A, s2;
	p2 =	seq.s32 @!p0 s5, $0x0  }
0x1f: {  	s9 =	smul.u32 $0xF7A, s1;
	s8 =	simm.s32 @!p0 $0x1BF5;
	p2 =	por !p2, p0  }
0x20: {  	[sflag:s8] =	ssyncset.s32 @!p0 $0xFFFFF086;
	s6 =	sadd.s32 @!p0 s3, s7;
	s7 =	simm.s32 @!p0 $0x108  }
0x21: {  	s3 =	sadd.s32 s3, s9;
	s6 =	sadd.s32 @!p0 $0x88, s6;
	s7 =	simm.s32 @p2 $0x1082  }
0x22: {  	[simem:s7], [sflag:s8] =	dma.local @!p0 [hbm:s6], $0xF7A  }
0x23: {  	s9 =	sor.u32 $0xD0000000, s2;
	s6 =	simm.s32 $0x108;
	_ =	swait.ge @!p0 [sflag:s8], $0x0  }
0x24: {  	s3 =	sadd.s32 $0x88, s3;
	s6 =	simm.s32 @!p1 $0x1082;
	[sflag:s4] =	ssyncset.s32 $0xFFFFF086  }
0x25: {  	[simem:s6], [sflag:s4] =	dma.local [hbm:s3], $0xF7A  }
0x26: {  	[smem:$0x3F9D] =	sst s1;
	(tag) =	ssettag s2;
	_ =	strace s9  }
0x27: {  	s1 =	sld [smem:$0x3FAD]  }
0x28: {  	s2 =	sld [smem:$0x3FAE]  }
0x29: {  	s4 =	sld [smem:$0x3FB0]  }
0x2a: {  	p0 =	seq.s32 s5, $0x0;
	s5 =	sld [smem:$0x3FB1]  }
0x2b: {  	s6 =	sld [smem:$0x3FB2]  }
0x2c: {  	s7 =	sld [smem:$0x3FB3]  }
0x2d: {  	s3 =	simm.s32 $0x108;
	s8 =	sld [smem:$0x3FB4]  }
0x2e: {  	s3 =	simm.s32 @!p0 $0x1082;
	s9 =	sld [smem:$0x3FB5]  }
0x2f: {  	lr =	sadd.s32 s0, s3;
	s0 =	sld [smem:$0x3FAC]  }
0x30: {  	s3 =	sld [smem:$0x3FAF]  }
0x31: {  	[smem:$0x3FB8] =	sst s10  }
0x32: {  	s10 =	sld [smem:$0x3FB6];
	_ =	sdelay $0x3  }
0x33: {  	p0 =	seq.s32 s10, $0x1;
	s10 =	sld [smem:$0x3FB8];
	_ =	sdelay $0x3  }
0x34: {  	[smem:$0x3FB8] =	sst s10  }
0x35: {  	s10 =	sld [smem:$0x3FB7];
	_ =	sdelay $0x3  }
0x36: {  	p1 =	seq.s32 s10, $0x1;
	s10 =	sld [smem:$0x3FB8];
	_ =	sdelay $0x3  }
0x37: {  	[smem:$0x3FB8] =	sst s10  }
0x38: {  	s10 =	sld [smem:$0x3FB9]  }
0x39: {  	_ = 	snop;
	(pc) =	sbr.ind lr, $3  }
0x3a: {  	_ = 	snop  }
0x3b: {  	_ = 	snop  }
0x3c: {  	p2 =	seq.s32 s10, $0x1;
	s10 =	sld [smem:$0x3FB8]  }
0x3d: {  	_ =	shalt  }
0x3e: {  	_ =	shalt  }
0x3f: {  	_ =	shalt  }
0x40: {  	_ =	shalt  }
0x41: {  	_ =	shalt  }
0x42: {  	_ =	shalt  }
0x43: {  	_ =	shalt  }
0x44: {  	_ =	shalt  }
0x45: {  	_ =	shalt  }
0x46: {  	_ =	shalt  }
0x47: {  	_ =	shalt  }
0x48: {  	_ =	shalt  }
0x49: {  	_ =	shalt  }
0x4a: {  	_ =	shalt  }
0x4b: {  	_ =	shalt  }
0x4c: {  	_ =	shalt  }
0x4d: {  	_ =	shalt  }
0x4e: {  	_ =	shalt  }
0x4f: {  	_ =	shalt  }
0x50: {  	_ =	shalt  }
0x51: {  	_ =	shalt  }
0x52: {  	_ =	shalt  }
0x53: {  	_ =	shalt  }
0x54: {  	_ =	shalt  }
0x55: {  	_ =	shalt  }
0x56: {  	_ =	shalt  }
0x57: {  	_ =	shalt  }
0x58: {  	_ =	shalt  }
0x59: {  	_ =	shalt  }
0x5a: {  	_ =	shalt  }
0x5b: {  	_ =	shalt  }
0x5c: {  	_ =	shalt  }
0x5d: {  	_ =	shalt  }
0x5e: {  	_ =	shalt  }
0x5f: {  	_ =	shalt  }
0x60: {  	_ =	shalt  }
0x61: {  	_ =	shalt  }
0x62: {  	_ =	shalt  }
0x63: {  	_ =	shalt  }
0x64: {  	_ =	shalt  }
0x65: {  	_ =	shalt  }
0x66: {  	_ =	shalt  }
0x67: {  	_ =	shalt  }
0x68: {  	_ =	shalt  }
0x69: {  	_ =	shalt  }
0x6a: {  	_ =	shalt  }
0x6b: {  	_ =	shalt  }
0x6c: {  	_ =	shalt  }
0x6d: {  	_ =	shalt  }
0x6e: {  	_ =	shalt  }
0x6f: {  	_ =	shalt  }
0x70: {  	_ =	shalt  }
0x71: {  	_ =	shalt  }
0x72: {  	_ =	shalt  }
0x73: {  	_ =	shalt  }
0x74: {  	_ =	shalt  }
0x75: {  	_ =	shalt  }
0x76: {  	_ =	shalt  }
0x77: {  	_ =	shalt  }
0x78: {  	_ =	shalt  }
0x79: {  	_ =	shalt  }
0x7a: {  	_ =	shalt  }
0x7b: {  	_ =	shalt  }
0x7c: {  	_ =	shalt  }
0x7d: {  	_ =	shalt  }
0x7e: {  	_ =	shalt  }
0x7f: {  	_ =	shalt  }
0x80: {  	_ =	shalt  }
0x81: {  	_ =	shalt  }
0x82: {  	_ =	shalt  }
0x83: {  	_ =	shalt  }
0x84: {  	_ =	shalt  }
0x85: {  	_ =	shalt  }
0x86: {  	_ =	shalt  }
0x87: {  	_ =	shalt  }
.Lfunc_end0:
.L_simem_size_0:
called_computation_lowered:
.L_overlay_start_0:
0x88: {  	s2 =	sld [smem:$0x3FD9]  }
0x89: {  	s3 =	sld [smem:$0x3FFE];
	_ =	sdelay $0x1  }
0x8a: {  	s1 =	srdreg.scid  }
0x8b: {  	s0 =	sand.u32 $0x1, s1  }
0x8c: {  	s17 =	sshll.u32 s0, $0xA;
	s2 =	sadd.s32 s3, s2  }
0x8d: {  	s2 =	sadd.s32 s2, s17  }
0x8e: {  	[smem:$0x3FC4] =	sst s2  }
0x8f: {  	_ = 	snop  }
0x90: {  	s2 =	sld [smem:$0x3FD0];
	(tm) =	ssettm $0x1  }
0x91: {  	s18 =	sld [smem:$0x3FFB];
	_ =	sdelay $0x3  }
0x92: {  	_ =	strace s18  }
0x93: {  	s3 =	sld [smem:$0x3FFC];
	_ =	sdelay $0x3  }
0x94: {  	_ =	strace s3  }
0x95: {  	s3 =	sld [smem:$0x3FFD];
	_ =	sdelay $0x3  }
0x96: {  	_ =	strace s3  }
0x97: {  	_ =	strace $0x8FFFFFFF  }
0x98: {  	s19 =	sld [smem:$0x3FDB];
	_ =	sdelay $0x1  }
0x99: {  	s4 =	simm.s32 $_scs_section_size  }
0x9a: {  	s5 =	simm.s32 $_size__tile_overlayer_lowered;
	s6 =	simm.s32 $_tile_overlayer_lowered  }
0x9b: {  	s22 =	simm.s32 $0x1BFF;
	s21 =	sshll.u32 s6, $0x1;
	s3 =	sadd.s32 s4, s19  }
0x9c: {  	s7 =	simm.s32 $0x0;
	s20 =	sshll.u32 s5, $0x1;
	s5 =	sadd.s32 s21, s3  }
0x9d: {  	[timem:s7], [sflag:s22] =	dma.local [hbm:s5], s20  }
0x9e: {  	_ =	swait.ge [sflag:s22], s20  }
0x9f: {  	s4 =	ssub.s32 $0x0, s20;
	[sflag:s22] =	ssyncset.done $0x0  }
0xa0: {  	[sflag:s22] =	ssyncadd.s32 s4;
	_ =	sdelay $0x1  }
0xa1: {  	s23 =	simm.s32 $0x1B8B  }
0xa2: {  	_ =	swait.ge [sflag:s23], $0x1  }
0xa3: {  	[sflag:s23] =	ssyncset.done $0x0  }
0xa4: {  	s25 =	simm.s32 $0x1B8E;
	s24 =	sld [smem:$0x3FFE];
	[sflag:s23] =	ssyncadd.s32 $0xFFFFFFFF  }
0xa5: {  	s26 =	simm.s32 $execute0_lowered;
	[smem:$0x3FD2] =	sst s25  }
0xa6: {  	s5 =	sshll.u32 s26, $0x1;
	_ =	strace $0x80000046;
	[dreg:$0x1] =	wrdreg $0xFFFFFFFF  }
0xa7: {  	s28 =	simm.s32 $_size_execute0_lowered;
	s3 =	sadd.s32 s3, s5;
	[dreg:$0x0] =	wrdreg $0x0  }
0xa8: {  	s5 =	sshll.u32 s28, $0x1;
	[dreg:$0x2] =	wrdreg s3  }
0xa9: {  	[dreg:$0x3] =	wrdreg s5  }
0xaa: {  	[dreg:$0x4] =	wrdreg $0xC0  }
0xab: {  	_ =	task [dreg:s7], $0x5FFFF  }
0xac: {  	[dreg:$0x1] =	wrdreg $0xFFFFFFFF  }
0xad: {  	[dreg:$0x0] =	wrdreg $0x60  }
0xae: {  	[dreg:$0x2] =	wrdreg s24  }
0xaf: {  	[dreg:$0x3] =	wrdreg s2  }
0xb0: {  	[dreg:$0x4] =	wrdreg $0x130800  }
0xb1: {  	[dreg:$0x5] =	wrdreg $0x1D0800  }
0xb2: {  	[dreg:$0x6] =	wrdreg $0x9  }
0xb3: {  	_ =	task.clear_ibuf [dreg:s7], $0x7FFFF;
	_ =	strace $0x90000046  }
0xb4: {  	s29 =	simm.s32 $0x9;
	_ =	strace $0x80000048  }
0xb5: {  	_ =	swait.ge [sflag:s29], $0x1  }
0xb6: {  	[sflag:s29] =	ssyncadd.s32 $0xFFFFFFFF  }
0xb7: {  	_ =	strace $0x90000048  }
0xb8: {  	_ =	sfence  }
0xb9: {  	s30 =	sld [smem:$0x0];
	_ =	sdelay $0x2  }
0xba: {  	s31 =	sshll.u32 s1, $0xD;
	s1 =	sshrl.u32 s1, $0x2  }
0xbb: {  	s3 =	sand.u32 $0x4000, s31;
	s1 =	sadd.s32 s1, s30  }
0xbc: {  	s0 =	sor.u32 s3, s0;
	s1 =	sshll.u32 s1, $0x11  }
0xbd: {  	s0 =	sor.u32 s1, s0  }
0xbe: {  	s0 =	sadd.s32 $0x8F2B, s0  }
0xbf: {  	[sflag:s0] =	ssyncadd.remote.s32 $0x1  }
0xc0: {  	_ =	sfence.sel $0xFFFF  }
0xc1: {  	[dreg:$0x0] =	wrdreg $0xFFFFFFFF;
	(pc) =	sbr.abs _section_cstart, $3  }
0xc2: {  	[dreg:$0x1] =	wrdreg $0xFFFFFFFF  }
0xc3: {  	_ =	task.clear_ibuf [dreg:s7], $0x2FFFF;
	_ =	strace $0x9FFFFFFF  }
0xc4: {  	(tm) =	ssettm $0x7FFFFFFF  }
0xc5: {  	_ =	shalt  }
tec
execute0_lowered:
.L_overlay_start_1:
0x0: {  	(tag) =	ssettag $0x1  }
0x1: {  	s0 =	rddreg [dreg:$0x0]  }
0x2: {  	s1 =	rddreg [dreg:$0x1]  }
0x3: {  	s2 =	rddreg [dreg:$0x2];
	s14 =	stileid.u32  }
0x4: {  	s3 =	rddreg [dreg:$0x3];
	s7 =	smul.u32 $0x280, s14  }
0x5: {  	s5 =	srdreg.scid;
	s4 =	simm.s32 $0x0;
	s16 =	smul.u32 $0xA00, s14  }
0x6: {  	s20 =	simm.s32 $0xC080;
	s28 =	simm.s32 $0x1;
	s12 =	smul.u32 $0x5000, s14  }
0x7: {  	s29 =	simm.s32 $0x3;
	s30 =	simm.s32 $0x5;
	s13 =	smul.u32 $0x28000, s14  }
0x8: {  	s31 =	simm.s32 $0x10080;
	s6 =	sand.u32 $0x1, s5;
	s22 =	smul.u32 $0xA000, s14  }
0x9: {  	[smem:$0x7FF] =	sst s4;
	s5 =	sadd.s32 $0x1C00, s0;
	s8 =	smul.u32 $0x2800, s6  }
0xa: {  	s9 =	sadd.s32 $0x15600, s0;
	s11 =	ssub.s32 $0x2, s6;
	s19 =	smul.u32 $0x2710, s6  }
0xb: {  	_ =	strace $0x80000047;
	s14 =	smul.u32 $0x50, s6;
	s17 =	sshrl.u32 s11, $0x1  }
0xc: {  	s18 =	sshrl.u32 s12, $0x3;
	s21 =	sshrl.u32 s13, $0x2;
	s7 =	sadd.s32 s7, s8  }
0xd: {  	s8 =	sadd.s32 s9, s16;
	v0 =	vmov s19;
	s19 =	simm.s32 $0x4;
	s10 =	sshll.u32 s7, $0x1  }
0xe: {  	[dreg:$0x5] =	wrdreg s8;
	s8 =	sadd.s32 s9, s18;
	s7 =	sshll.u32 s7, $0x3  }
0xf: {  	s18 =	simm.s32 $0x6;
	s0 =	sadd.s32 s10, s0;
	s10 =	ssub.s32 s11, s17  }
0x10: {  	s8 =	sadd.s32 $0xA000, s8;
	s11 =	sshrl.u32 s22, $0x2;
	s15 =	sadd.s32 s1, s7  }
0x11: {  	s22 =	simm.s32 $0x80;
	[dreg:$0x6] =	wrdreg s8;
	s8 =	sadd.s32 s21, s2  }
0x12: {  	s1 =	simm.s32 $0x0;
	s13 =	sadd.s32 s11, s3;
	s23 =	sadd.s32 $0x2000, s8  }
0x13: {  	s16 =	sadd.s32 $0x29600, s0;
	s24 =	sadd.s32 $0x4000, s8;
	[dreg:$0x7] =	wrdreg s23  }
0x14: {  	s17 =	smax.u32 s10, $0x1;
	s25 =	sadd.s32 $0x6000, s8;
	[dreg:$0x8] =	wrdreg s24  }
0x15: {  	s21 =	simm.s32 $0x10880;
	s26 =	sadd.s32 $0x8000, s8;
	[dreg:$0x9] =	wrdreg s25  }
0x16: {  	s0 =	simm.s32 $0x2;
	[dreg:$0xa] =	wrdreg s26;
	s23 =	simm.s32 $0xA080  }
0x17: {  	v1 =	vimm.s32 $0x2710;
	v2 =	vimm.f32 $0.0e+00;
	v3 =	vimm.f32 $1.000000000e+00;
	s24 =	simm.s32 $0xB080;
	s25 =	simm.s32 $0xA000;
	s26 =	simm.s32 $0xE080  }
.LBB2_1:
0x18: {  	s6 =	rddreg [dreg:$0x5]  }
0x19: {  	[tilespmem:s4], [sflag:$0x6] =	stream.linear.gather [hbm4b:s6+s4], $0x5000, $0x38;
	[tilespmem:$0x1F880] =	vst v63  }
0x1a: {  	_ =	swait.ge [sflag:s18], $0x5000  }
0x1b: {  	[sflag:s18] =	ssyncset.done $0x0  }
0x1c: {  	s7 =	simm.s32 $0x5000;
	s10 =	rddreg [dreg:$0x6];
	[sflag:s18] =	ssyncadd.s32 $0xFFFFB000  }
0x1d: {  	[tilespmem:s7], [sflag:$0x6] =	stream.linear.gather [hbm4b:s10+s4], $0x5000, $0x38;
	[tilespmem:$0x1F880] =	vst v63  }
0x1e: {  	s11 =	sand.u32 $0x1FE00, s4;
	_ =	swait.ge [sflag:s18], $0x5000  }
0x1f: {  	s12 =	sand.u32 $0x70, s4;
	s6 =	sshrl.u32 s11, $0x2;
	[sflag:s18] =	ssyncset.done $0x0  }
0x20: {  	s6 =	sor.u32 s12, s6;
	[sflag:s18] =	ssyncadd.s32 $0xFFFFB000  }
0x21: {  	v4 =	vld [tilespmem:s6+$0x0];
	_ =	sdelay $0x2  }
0x22: {  	s9 =	simm.s32 $0x40  }
0x23: {  	s10 =	sand.u32 $0x1FE00, s9;
	s9 =	simm.s32 $0x80;
	s7 =	simm.s32 $0x10  }
.LBB2_2:
0x24: {  	p0 =	sne.s32 s9, $0x13FC0;
	s11 =	sand.u32 $0x70, s7;
	s10 =	sshrl.u32 s10, $0x2;
	v4 =	vadd.s32 v0, v4  }
0x25: {  	[tilespmem:s6+$0x0] =	vst v4;
	s6 =	sor.u32 s11, s10  }
.Ltmp0:
0x26: {  	v4 =	vld [tilespmem:s6+$0x0];
	(pc) =	sbr.rel @p0 .LBB2_2-.Ltmp0, $2  }
0x27: {  	_ =	sdelay $0x2  }
0x28: {  	s7 =	sadd.s32 $0x10, s7;
	s10 =	sand.u32 $0x1FE00, s9;
	s9 =	sadd.s32 $0x40, s9  }
0x29: {  	s7 =	sand.u32 $0x70, s7;
	s9 =	sshrl.u32 s10, $0x2;
	v4 =	vadd.s32 v0, v4  }
0x2a: {  	s7 =	sor.u32 s7, s9;
	[tilespmem:s6+$0x0] =	vst v4  }
0x2b: {  	v4 =	vld [tilespmem:s7+$0x0];
	_ =	sdelay $0x4  }
0x2c: {  	v4 =	vadd.s32 v0, v4  }
0x2d: {  	[tilespmem:s7+$0x0] =	vst v4  }
0x2e: {  	[tilespmem:$0xA000] =	vst v1  }
0x2f: {  	[tilespmem:$0xA010] =	vst v1  }
0x30: {  	[tilespmem:$0xA020] =	vst v1  }
0x31: {  	[tilespmem:$0xA030] =	vst v1  }
0x32: {  	[tilespmem:$0xA040] =	vst v1  }
0x33: {  	[tilespmem:$0xA050] =	vst v1  }
0x34: {  	[tilespmem:$0xA060] =	vst v1  }
0x35: {  	s6 =	simm.s32 $0x0;
	s9 =	simm.s32 $0x0;
	s7 =	simm.s32 $0x40;
	[tilespmem:$0xA070] =	vst v1  }
.LBB2_4:
0x36: {  	p0 =	sne.s32 s7, $0x7FC0;
	[tilespmem:s9+$0xC080] =	vst v2;
	s10 =	smov.u32 s7;
	s7 =	sadd.s32 $0x40, s7  }
.Ltmp1:
0x37: {  	[tilespmem:s9+$0xE080] =	vst v2;
	(pc) =	sbr.rel @p0 .LBB2_4-.Ltmp1, $2  }
0x38: {  	_ =	sdelay $0x2  }
0x39: {  	s9 =	sshra.s32 s10, $0x2  }
0x3a: {  	[tilespmem:s9+$0xC080] =	vst v2  }
0x3b: {  	[tilespmem:s9+$0xE080] =	vst v2  }
.LBB2_6:
0x3c: {  	p0 =	sne.s32 s6, $0x1FC0  }
.Ltmp2:
0x3d: {  	_ = 	snop;
	(pc) =	sbr.rel @p0 .LBB2_6-.Ltmp2, $3  }
0x3e: {  	_ =	sdelay $0x1  }
0x3f: {  	s7 =	sshra.s32 s6, $0x2  }
0x40: {  	s6 =	sadd.s32 $0x40, s6;
	[tilespmem:s7+$0x10080] =	vst v3  }
0x41: {  	s6 =	simm.s32 $0x40;
	s7 =	simm.s32 $0x0  }
.LBB2_8:
0x42: {  	p0 =	sne.s32 s6, $0x9FC0;
	[tilespmem:s7+$0x10880] =	vst v2;
	s7 =	smov.u32 s6;
	s6 =	sadd.s32 $0x40, s6  }
.Ltmp3:
0x43: {  	(pc) =	sbr.rel @p0 .LBB2_8-.Ltmp3, $2  }
0x44: {  	_ =	sdelay $0x2  }
0x45: {  	s7 =	sshra.s32 s7, $0x2  }
0x46: {  	[tilespmem:s7+$0x10880] =	vst v2  }
0x47: {  	[spmem:s8] =	stream.linear.scatter [tilespmem:s20], [sflag:$0x6], $0x2000, $0x38;
	[tilespmem:$0x1F880] =	vst v63  }
0x48: {  	_ =	swait.ge [sflag:s18], $0x2000  }
0x49: {  	[sflag:s18] =	ssyncset.done $0x0  }
0x4a: {  	s6 =	rddreg [dreg:$0x7];
	[sflag:s18] =	ssyncadd.s32 $0xFFFFE000  }
0x4b: {  	[spmem:s6] =	stream.linear.scatter [tilespmem:s20], [sflag:$0x6], $0x2000, $0x38;
	[tilespmem:$0x1F880] =	vst v63  }
0x4c: {  	_ =	swait.ge [sflag:s18], $0x2000  }
0x4d: {  	[sflag:s18] =	ssyncset.done $0x0  }
0x4e: {  	s10 =	rddreg [dreg:$0x8];
	[sflag:s18] =	ssyncadd.s32 $0xFFFFE000  }
0x4f: {  	[spmem:s10] =	stream.linear.scatter [tilespmem:s20], [sflag:$0x6], $0x2000, $0x38;
	[tilespmem:$0x1F880] =	vst v63  }
0x50: {  	_ =	swait.ge [sflag:s18], $0x2000  }
0x51: {  	[sflag:s18] =	ssyncset.done $0x0  }
0x52: {  	s11 =	rddreg [dreg:$0x9];
	[sflag:s18] =	ssyncadd.s32 $0xFFFFE000  }
0x53: {  	[spmem:s11] =	stream.linear.scatter [tilespmem:s20], [sflag:$0x6], $0x2000, $0x38;
	[tilespmem:$0x1F880] =	vst v63  }
0x54: {  	_ =	swait.ge [sflag:s18], $0x2000  }
0x55: {  	[sflag:s18] =	ssyncset.done $0x0  }
0x56: {  	s12 =	rddreg [dreg:$0xa];
	[sflag:s18] =	ssyncadd.s32 $0xFFFFE000  }
0x57: {  	[spmem:s12] =	stream.linear.scatter [tilespmem:s20], [sflag:$0x6], $0x2000, $0x38;
	[tilespmem:$0x1F880] =	vst v63  }
0x58: {  	_ =	swait.ge [sflag:s18], $0x2000  }
0x59: {  	[sflag:s18] =	ssyncset.done $0x0  }
0x5a: {  	[sflag:s18] =	ssyncadd.s32 $0xFFFFE000  }
0x5b: {  	[spmem:s13] =	stream.linear.scatter [tilespmem:s21], [sflag:$0x6], $0x2800, $0x38;
	[tilespmem:$0x1F880] =	vst v63  }
0x5c: {  	_ =	swait.ge [sflag:s18], $0x2800  }
0x5d: {  	[sflag:s18] =	ssyncset.done $0x0  }
0x5e: {  	[sflag:s18] =	ssyncadd.s32 $0xFFFFD800  }
0x5f: {  	s6 =	simm.s32 $0x0;
	[bflag:$0x0] =	sbarrier.arrive $0xFFFF  }
0x60: {  	[tilespmem:s23], [sflag:$0x1] =	stream.indirect.gather [hbm4b:s5+s22], $0x20, s6, s22, $0xb8;
	[tilespmem:$0x1F880] =	vst v63  }
0x61: {  	_ = 	snop  }
0x62: {  	[tilespmem:s24], [sflag:$0x2] =	stream.indirect.gather [hbm4b:s5+s22], $0x20, s22, s22, $0xb8;
	[tilespmem:$0x1F880] =	vst v63  }
0x63: {  	_ = 	snop  }
0x64: {  	[spmem:s2] =	stream.indirect.scatter.add.f32 [tilespmem:s20], [sflag:$0x3], $0x40, s25, s22, $0xb8;
	[tilespmem:$0x1F880] =	vst v63  }
0x65: {  	_ = 	snop  }
0x66: {  	[spmem:s2] =	stream.indirect.scatter.add.f32 [tilespmem:s26], [sflag:$0x4], $0x40, s25, s22, $0xb8;
	[tilespmem:$0x1F880] =	vst v63  }
0x67: {  	_ = 	snop  }
0x68: {  	[spmem:s3] =	stream.indirect.scatter.add.f32 [tilespmem:s21], [sflag:$0x5], $0x10, s25, s22, $0xb8;
	[tilespmem:$0x1F880] =	vst v63  }
.LBB2_10:
0x69: {  	_ =	swait.ge [sflag:s28], $0x1000  }
0x6a: {  	[sflag:s28] =	ssyncset.done $0x0  }
0x6b: {  	[sflag:s28] =	ssyncadd.s32 $0xFFFFF000  }
0x6c: {  	_ =	swait.ge [sflag:s29], $0x2000  }
0x6d: {  	[sflag:s29] =	ssyncset.done $0x0  }
0x6e: {  	s9 =	simm.s32 $0x0;
	[sflag:s29] =	ssyncadd.s32 $0xFFFFE000  }
0x6f: {  	v4 =	vld [tilespmem:s9+$0xA080];
	_ =	sdelay $0x4  }
0x70: {  	s7 =	simm.s32 $0xC0C0;
	v5 =	vunpack.i.l.bf16.f32 v4  }
0x71: {  	v4 =	vunpack.i.u.bf16.f32 v4;
	[tilespmem:s7+$0xFFFFFFC0] =	vst v5  }
0x72: {  	[tilespmem:s7+$0xFFFFFFD0] =	vst v4  }
0x73: {  	v4 =	vld [tilespmem:s9+$0xA090];
	_ =	sdelay $0x4  }
0x74: {  	v5 =	vunpack.i.l.bf16.f32 v4  }
0x75: {  	v4 =	vunpack.i.u.bf16.f32 v4;
	[tilespmem:s7+$0xFFFFFFE0] =	vst v5  }
0x76: {  	[tilespmem:s7+$0xFFFFFFF0] =	vst v4  }
0x77: {  	v4 =	vld [tilespmem:s9+$0xA0A0];
	_ =	sdelay $0x4  }
0x78: {  	v5 =	vunpack.i.u.bf16.f32 v4  }
0x79: {  	v4 =	vunpack.i.l.bf16.f32 v4;
	[tilespmem:s7+$0x10] =	vst v5  }
0x7a: {  	[tilespmem:s7+$0x0] =	vst v4  }
0x7b: {  	v4 =	vld [tilespmem:s9+$0xA0B0];
	_ =	sdelay $0x4  }
0x7c: {  	v5 =	vunpack.i.l.bf16.f32 v4  }
0x7d: {  	v4 =	vunpack.i.u.bf16.f32 v4;
	[tilespmem:s7+$0x20] =	vst v5  }
0x7e: {  	s9 =	simm.s32 $0x40;
	[tilespmem:s7+$0x30] =	vst v4  }
0x7f: {  	v4 =	vld [tilespmem:s9+$0xA080]  }
0x80: {  	s10 =	simm.s32 $0x200  }
.LBB2_11:
0x81: {  	p0 =	sne.s32 s10, $0x3F00;
	_ =	sdelay $0x2  }
0x82: {  	s7 =	sadd.s32 $0x80, s7;
	v5 =	vunpack.i.l.bf16.f32 v4  }
0x83: {  	v4 =	vunpack.i.u.bf16.f32 v4;
	[tilespmem:s7+$0xFFFFFFC0] =	vst v5  }
0x84: {  	[tilespmem:s7+$0xFFFFFFD0] =	vst v4  }
0x85: {  	v4 =	vld [tilespmem:s9+$0xA090];
	_ =	sdelay $0x4  }
0x86: {  	v5 =	vunpack.i.l.bf16.f32 v4  }
0x87: {  	v4 =	vunpack.i.u.bf16.f32 v4;
	[tilespmem:s7+$0xFFFFFFE0] =	vst v5  }
0x88: {  	[tilespmem:s7+$0xFFFFFFF0] =	vst v4  }
0x89: {  	v4 =	vld [tilespmem:s9+$0xA0A0];
	_ =	sdelay $0x4  }
0x8a: {  	v5 =	vunpack.i.u.bf16.f32 v4;
	v4 =	vunpack.i.l.bf16.f32 v4  }
0x8b: {  	[tilespmem:s7+$0x10] =	vst v5  }
0x8c: {  	[tilespmem:s7+$0x0] =	vst v4  }
0x8d: {  	v4 =	vld [tilespmem:s9+$0xA0B0];
	_ =	sdelay $0x4  }
.Ltmp4:
0x8e: {  	v5 =	vunpack.i.u.bf16.f32 v4;
	v4 =	vunpack.i.l.bf16.f32 v4;
	(pc) =	sbr.rel @p0 .LBB2_11-.Ltmp4, $4  }
0x8f: {  	[tilespmem:s7+$0x20] =	vst v4  }
0x90: {  	s9 =	sshra.s32 s10, $0x2;
	[tilespmem:s7+$0x30] =	vst v5  }
0x91: {  	v4 =	vld [tilespmem:s9+$0xA080]  }
0x92: {  	s10 =	sadd.s32 $0x100, s10  }
0x93: {  	_ =	sdelay $0x2  }
0x94: {  	s10 =	sadd.s32 $0x80, s7;
	v5 =	vunpack.i.l.bf16.f32 v4  }
0x95: {  	v4 =	vunpack.i.u.bf16.f32 v4;
	[tilespmem:s10+$0xFFFFFFC0] =	vst v5  }
0x96: {  	[tilespmem:s10+$0xFFFFFFD0] =	vst v4  }
0x97: {  	v4 =	vld [tilespmem:s9+$0xA090];
	_ =	sdelay $0x4  }
0x98: {  	v5 =	vunpack.i.l.bf16.f32 v4  }
0x99: {  	v4 =	vunpack.i.u.bf16.f32 v4;
	[tilespmem:s10+$0xFFFFFFE0] =	vst v5  }
0x9a: {  	[tilespmem:s10+$0xFFFFFFF0] =	vst v4  }
0x9b: {  	v4 =	vld [tilespmem:s9+$0xA0A0];
	_ =	sdelay $0x4  }
0x9c: {  	v5 =	vunpack.i.u.bf16.f32 v4  }
0x9d: {  	v4 =	vunpack.i.l.bf16.f32 v4;
	[tilespmem:s10+$0x10] =	vst v5  }
0x9e: {  	[tilespmem:s10+$0x0] =	vst v4  }
0x9f: {  	v4 =	vld [tilespmem:s9+$0xA0B0];
	_ =	sdelay $0x3  }
0xa0: {  	s7 =	sshll.u32 s6, $0x1  }
0xa1: {  	s12 =	smin.u32 s7, $0x9D;
	v5 =	vunpack.i.l.bf16.f32 v4  }
0xa2: {  	s9 =	sshll.u32 s12, $0x7;
	v4 =	vunpack.i.u.bf16.f32 v4;
	[tilespmem:s10+$0x20] =	vst v5  }
0xa3: {  	s9 =	sadd.s32 $0x100, s9;
	[tilespmem:s10+$0x30] =	vst v4;
	s10 =	sshll.u32 s6, $0x8  }
0xa4: {  	[tilespmem:s23], [sflag:$0x1] =	stream.indirect.gather [hbm4b:s5+s22], $0x20, s9, s22, $0xb8;
	[tilespmem:$0x1F880] =	vst v63  }
0xa5: {  	s9 =	sand.u32 $0x3FFFFF00, s10  }
0xa6: {  	s12 =	sadd.s32 s14, s6;
	s11 =	sadd.s32 $0x5000, s9  }
0xa7: {  	[spmem:s2] =	stream.indirect.scatter.add.f32 [tilespmem:s20], [sflag:$0x3], $0x40, s11, s22, $0xb8;
	[tilespmem:$0x1F880] =	vst v63  }
0xa8: {  	s10 =	sshll.u32 s12, $0x7;
	_ =	swait.ge [sflag:s30], $0x800  }
0xa9: {  	s10 =	sand.u32 $0x3FFFFF80, s10;
	[sflag:s30] =	ssyncset.done $0x0  }
0xaa: {  	s10 =	sadd.s32 $0x5000, s10;
	[sflag:s30] =	ssyncadd.s32 $0xFFFFF800  }
0xab: {  	[spmem:s3] =	stream.indirect.scatter.add.f32 [tilespmem:s31], [sflag:$0x5], $0x10, s10, s22, $0xb8;
	[tilespmem:$0x1F880] =	vst v63  }
0xac: {  	_ =	swait.ge [sflag:s0], $0x1000  }
0xad: {  	[sflag:s0] =	ssyncset.done $0x0  }
0xae: {  	[sflag:s0] =	ssyncadd.s32 $0xFFFFF000  }
0xaf: {  	_ =	swait.ge [sflag:s19], $0x2000  }
0xb0: {  	[sflag:s19] =	ssyncset.done $0x0  }
0xb1: {  	s11 =	simm.s32 $0x0;
	[sflag:s19] =	ssyncadd.s32 $0xFFFFE000  }
0xb2: {  	v4 =	vld [tilespmem:s11+$0xB080];
	_ =	sdelay $0x4  }
0xb3: {  	s10 =	simm.s32 $0xE0C0;
	v5 =	vunpack.i.l.bf16.f32 v4  }
0xb4: {  	v4 =	vunpack.i.u.bf16.f32 v4;
	[tilespmem:s10+$0xFFFFFFC0] =	vst v5  }
0xb5: {  	[tilespmem:s10+$0xFFFFFFD0] =	vst v4  }
0xb6: {  	v4 =	vld [tilespmem:s11+$0xB090];
	_ =	sdelay $0x4  }
0xb7: {  	v5 =	vunpack.i.l.bf16.f32 v4  }
0xb8: {  	v4 =	vunpack.i.u.bf16.f32 v4;
	[tilespmem:s10+$0xFFFFFFE0] =	vst v5  }
0xb9: {  	[tilespmem:s10+$0xFFFFFFF0] =	vst v4  }
0xba: {  	v4 =	vld [tilespmem:s11+$0xB0A0];
	_ =	sdelay $0x4  }
0xbb: {  	v5 =	vunpack.i.u.bf16.f32 v4  }
0xbc: {  	v4 =	vunpack.i.l.bf16.f32 v4;
	[tilespmem:s10+$0x10] =	vst v5  }
0xbd: {  	[tilespmem:s10+$0x0] =	vst v4  }
0xbe: {  	v4 =	vld [tilespmem:s11+$0xB0B0];
	_ =	sdelay $0x4  }
0xbf: {  	v5 =	vunpack.i.l.bf16.f32 v4  }
0xc0: {  	v4 =	vunpack.i.u.bf16.f32 v4;
	[tilespmem:s10+$0x20] =	vst v5  }
0xc1: {  	s11 =	simm.s32 $0x40;
	[tilespmem:s10+$0x30] =	vst v4  }
0xc2: {  	v4 =	vld [tilespmem:s11+$0xB080]  }
0xc3: {  	s12 =	simm.s32 $0x200  }
.LBB2_13:
0xc4: {  	p0 =	sne.s32 s12, $0x3F00;
	_ =	sdelay $0x2  }
0xc5: {  	s10 =	sadd.s32 $0x80, s10;
	v5 =	vunpack.i.l.bf16.f32 v4  }
0xc6: {  	v4 =	vunpack.i.u.bf16.f32 v4;
	[tilespmem:s10+$0xFFFFFFC0] =	vst v5  }
0xc7: {  	[tilespmem:s10+$0xFFFFFFD0] =	vst v4  }
0xc8: {  	v4 =	vld [tilespmem:s11+$0xB090];
	_ =	sdelay $0x4  }
0xc9: {  	v5 =	vunpack.i.l.bf16.f32 v4  }
0xca: {  	v4 =	vunpack.i.u.bf16.f32 v4;
	[tilespmem:s10+$0xFFFFFFE0] =	vst v5  }
0xcb: {  	[tilespmem:s10+$0xFFFFFFF0] =	vst v4  }
0xcc: {  	v4 =	vld [tilespmem:s11+$0xB0A0];
	_ =	sdelay $0x4  }
0xcd: {  	v5 =	vunpack.i.u.bf16.f32 v4;
	v4 =	vunpack.i.l.bf16.f32 v4  }
0xce: {  	[tilespmem:s10+$0x10] =	vst v5  }
0xcf: {  	[tilespmem:s10+$0x0] =	vst v4  }
0xd0: {  	v4 =	vld [tilespmem:s11+$0xB0B0];
	_ =	sdelay $0x4  }
.Ltmp5:
0xd1: {  	v5 =	vunpack.i.u.bf16.f32 v4;
	v4 =	vunpack.i.l.bf16.f32 v4;
	(pc) =	sbr.rel @p0 .LBB2_13-.Ltmp5, $4  }
0xd2: {  	[tilespmem:s10+$0x20] =	vst v4  }
0xd3: {  	s11 =	sshra.s32 s12, $0x2;
	[tilespmem:s10+$0x30] =	vst v5  }
0xd4: {  	v4 =	vld [tilespmem:s11+$0xB080]  }
0xd5: {  	s12 =	sadd.s32 $0x100, s12  }
0xd6: {  	_ =	sdelay $0x2  }
0xd7: {  	s10 =	sadd.s32 $0x80, s10;
	v5 =	vunpack.i.l.bf16.f32 v4  }
0xd8: {  	v4 =	vunpack.i.u.bf16.f32 v4;
	[tilespmem:s10+$0xFFFFFFC0] =	vst v5  }
0xd9: {  	[tilespmem:s10+$0xFFFFFFD0] =	vst v4  }
0xda: {  	v4 =	vld [tilespmem:s11+$0xB090];
	_ =	sdelay $0x4  }
0xdb: {  	v5 =	vunpack.i.l.bf16.f32 v4  }
0xdc: {  	v4 =	vunpack.i.u.bf16.f32 v4;
	[tilespmem:s10+$0xFFFFFFE0] =	vst v5  }
0xdd: {  	[tilespmem:s10+$0xFFFFFFF0] =	vst v4  }
0xde: {  	v4 =	vld [tilespmem:s11+$0xB0A0];
	_ =	sdelay $0x4  }
0xdf: {  	v5 =	vunpack.i.u.bf16.f32 v4  }
0xe0: {  	v4 =	vunpack.i.l.bf16.f32 v4;
	[tilespmem:s10+$0x10] =	vst v5  }
0xe1: {  	[tilespmem:s10+$0x0] =	vst v4  }
0xe2: {  	v4 =	vld [tilespmem:s11+$0xB0B0];
	_ =	sdelay $0x3  }
0xe3: {  	s6 =	sadd.s32 $0x1, s6  }
0xe4: {  	s7 =	smin.u32 s7, $0x9C;
	p0 =	sne.s32 s6, $0x50;
	v5 =	vunpack.i.l.bf16.f32 v4  }
.Ltmp6:
0xe5: {  	s7 =	sshll.u32 s7, $0x7;
	v4 =	vunpack.i.u.bf16.f32 v4;
	[tilespmem:s10+$0x20] =	vst v5;
	(pc) =	sbr.rel @p0 .LBB2_10-.Ltmp6, $4  }
0xe6: {  	s7 =	sadd.s32 $0x180, s7;
	[tilespmem:s10+$0x30] =	vst v4  }
0xe7: {  	[tilespmem:s24], [sflag:$0x2] =	stream.indirect.gather [hbm4b:s5+s22], $0x20, s7, s22, $0xb8;
	[tilespmem:$0x1F880] =	vst v63  }
0xe8: {  	s12 =	sadd.s32 $0x5080, s9  }
0xe9: {  	[spmem:s2] =	stream.indirect.scatter.add.f32 [tilespmem:s26], [sflag:$0x4], $0x40, s12, s22, $0xb8;
	[tilespmem:$0x1F880] =	vst v63  }
0xea: {  	_ =	swait.ge [sflag:s28], $0x1000  }
0xeb: {  	[sflag:s28] =	ssyncset.done $0x0  }
0xec: {  	[sflag:s28] =	ssyncadd.s32 $0xFFFFF000  }
0xed: {  	_ =	swait.ge [sflag:s0], $0x1000  }
0xee: {  	[sflag:s0] =	ssyncset.done $0x0  }
0xef: {  	[sflag:s0] =	ssyncadd.s32 $0xFFFFF000  }
0xf0: {  	_ =	swait.ge [sflag:s29], $0x2000  }
0xf1: {  	[sflag:s29] =	ssyncset.done $0x0  }
0xf2: {  	[sflag:s29] =	ssyncadd.s32 $0xFFFFE000  }
0xf3: {  	_ =	swait.ge [sflag:s19], $0x2000  }
0xf4: {  	[sflag:s19] =	ssyncset.done $0x0  }
0xf5: {  	[sflag:s19] =	ssyncadd.s32 $0xFFFFE000  }
0xf6: {  	_ =	swait.ge [sflag:s30], $0x800  }
0xf7: {  	s6 =	stileid.u32;
	[sflag:s30] =	ssyncset.done $0x0  }
0xf8: {  	s6 =	sshll.u32 s6, $0x6;
	[sflag:s30] =	ssyncadd.s32 $0xFFFFF800  }
0xf9: {  	s7 =	sshrl.u32 s8, $0x3;
	s6 =	sor.u32 $0x1C06, s6;
	[bflag:$0x0] =	sbarrier.arrive $0xFFFF  }
0xfa: {  	[hbm:s15], [sflag:s6] =	dma.local [spmem:s7], $0x1400  }
0xfb: {  	s1 =	sadd.s32 $0x1, s1;
	_ =	swait.ge [sflag:s18], $0x1400  }
0xfc: {  	p0 =	sne.s32 s1, s17;
	[sflag:s18] =	ssyncset.done $0x0  }
.Ltmp7:
0xfd: {  	s12 =	sshrl.u32 s13, $0x3;
	[sflag:s18] =	ssyncadd.s32 $0xFFFFEC00;
	(pc) =	sbr.rel @p0 .LBB2_1-.Ltmp7, $4  }
0xfe: {  	[hbm:s16], [sflag:s6] =	dma.local [spmem:s12], $0x500  }
0xff: {  	_ =	swait.ge [sflag:s18], $0x500  }
0x100: {  	[sflag:s18] =	ssyncset.done $0x0  }
0x101: {  	[sflag:s18] =	ssyncadd.s32 $0xFFFFFB00  }
0x102: {  	_ =	sfence.sel $0x180000  }
0x103: {  	[bflag:$0x0] =	sbarrier.arrive $0xFFFF  }
0x104: {  	_ =	strace $0x90000047  }
0x105: {  	s0 =	stileid.u32;
	[bflag:$0x2] =	sbarrier.arrive $0xFFFF  }
0x106: {  	p0 =	sne.s32 s0, $0x0;
	s0 =	rddreg [dreg:$0x4]  }
0x107: {  	s0 =	sadd.s32 @!p0 $0x100000, s0  }
0x108: {  	[sflag:s0] =	ssyncadd.tile.s32 @!p0 $0x1;
	_ =	shalt  }
.Lfunc_end2:
_tile_overlayer_lowered:
.L_overlay_start_2:
0x109: {  	(tag) =	ssettag $0x2  }
0x10a: {  	s0 =	rddreg [dreg:$0x0];
	s2 =	stileid.u32  }
0x10b: {  	s1 =	rddreg [dreg:$0x1];
	p0 =	sne.s32 s2, $0x0  }
0x10c: {  	s3 =	rddreg [dreg:$0x2];
	[bflag:$0x3] =	sbarrier.arrive $0xFFFF;
	s2 =	simm.s32 @!p0 $0x1C06  }
0x10d: {  	[timem:s3], [sflag:s2] =	dma.local @!p0 [hbm:s0], s1  }
0x10e: {  	s0 =	simm.s32 @!p0 $0x6  }
0x10f: {  	_ =	swait.ge @!p0 [sflag:s0], s1  }
0x110: {  	s1 =	ssub.s32 @!p0 $0x0, s1;
	[sflag:s0] =	ssyncset.done @!p0 $0x0  }
0x111: {  	[sflag:s0] =	ssyncadd.s32 @!p0 s1  }
0x112: {  	[bflag:$0x3] =	sbarrier.arrive $0xFFFF  }
0x113: {  	_ =	shalt  }

</sc_bundles>
